<compile_context>
chip_gen: v7x
topology: tpu7x:2x2x1
jax: 0.10.2.dev20260603
libtpu: 0.0.44.dev20260713+nightly
codegen_flags: <defaults>
</compile_context>

<pallas_src>
import functools
import math

import jax
import jax.numpy as jnp
from jax import lax
from jax.experimental import pallas as pl
from jax.experimental.pallas import tpu as pltpu
from jax.experimental.pallas import tpu_sc as plsc

_LANES = 16
_NSUB = 16


def _sc_router_body(num_tokens, num_experts, capacity,
                    x_hbm, rf_hbm, wf_hbm, c1tab_hbm, c2tab_hbm,
                    xloc, t1loc, t2loc, v1loc, v2loc,
                    cnt1, cnt2, rloc, wloc, c1all, c2all):
    chunk = num_tokens // _NSUB
    n_grp = chunk // _LANES
    sid = lax.axis_index("s")
    base = sid * chunk
    lane = lax.iota(jnp.int32, _LANES)

    pltpu.sync_copy(x_hbm.at[pl.ds(base, chunk), :], xloc)

    def phase1(g, carry):
        cnt1v, cnt2v = carry
        off = g * _LANES
        tok = jnp.full((_LANES,), off, jnp.int32) + lane
        ps = [plsc.load_gather(xloc, [tok, jnp.full((_LANES,), e, jnp.int32)])
              for e in range(num_experts)]
        m = ps[0]
        for e in range(1, num_experts):
            m = jnp.maximum(m, ps[e])
        es = [jnp.exp(p - m) for p in ps]
        s = es[0]
        for e in range(1, num_experts):
            s = s + es[e]
        inv = 1.0 / s
        probs = [t * inv for t in es]
        val1 = probs[0]
        idx1 = jnp.zeros((_LANES,), jnp.int32)
        for e in range(1, num_experts):
            gt = probs[e] > val1
            val1 = jnp.where(gt, probs[e], val1)
            idx1 = jnp.where(gt, jnp.full((_LANES,), e, jnp.int32), idx1)
        val2 = jnp.full((_LANES,), -jnp.inf, jnp.float32)
        idx2 = jnp.zeros((_LANES,), jnp.int32)
        for e in range(num_experts):
            ok = (idx1 != e) & (probs[e] > val2)
            val2 = jnp.where(ok, probs[e], val2)
            idx2 = jnp.where(ok, jnp.full((_LANES,), e, jnp.int32), idx2)
        t1loc[pl.ds(off, _LANES)] = idx1
        t2loc[pl.ds(off, _LANES)] = idx2
        v1loc[pl.ds(off, _LANES)] = val1
        v2loc[pl.ds(off, _LANES)] = val2
        for e in range(num_experts):
            n1 = jnp.sum((idx1 == e).astype(jnp.int32))
            n2 = jnp.sum((idx2 == e).astype(jnp.int32))
            cnt1v = jnp.where(lane == e, cnt1v + n1, cnt1v)
            cnt2v = jnp.where(lane == e, cnt2v + n2, cnt2v)
        return cnt1v, cnt2v
    zero_v = jnp.zeros((_LANES,), jnp.int32)
    cnt1v, cnt2v = lax.fori_loop(0, n_grp, phase1, (zero_v, zero_v))
    cnt1[...] = cnt1v
    cnt2[...] = cnt2v

    pltpu.sync_copy(cnt1, c1tab_hbm.at[sid])
    pltpu.sync_copy(cnt2, c2tab_hbm.at[sid])
    plsc.subcore_barrier()

    pltpu.sync_copy(c1tab_hbm, c1all)
    pltpu.sync_copy(c2tab_hbm, c2all)
    off1 = jnp.zeros((_LANES,), jnp.int32)
    off2 = jnp.zeros((_LANES,), jnp.int32)
    tot1 = jnp.zeros((_LANES,), jnp.int32)
    tot2 = jnp.zeros((_LANES,), jnp.int32)
    for sp in range(_NSUB):
        row1 = c1all[sp, :]
        row2 = c2all[sp, :]
        before = (jnp.full((_LANES,), sp, jnp.int32) < sid).astype(jnp.int32)
        off1 = off1 + row1 * before
        off2 = off2 + row2 * before
        tot1 = tot1 + row1
        tot2 = tot2 + row2
    run1_0 = off1
    run2_0 = off2 + tot1

    def phase2(g, carry):
        run1v, run2v = carry
        off = g * _LANES
        t1v = t1loc[pl.ds(off, _LANES)]
        t2v = t2loc[pl.ds(off, _LANES)]
        v1v = v1loc[pl.ds(off, _LANES)]
        v2v = v2loc[pl.ds(off, _LANES)]
        r1f = jnp.zeros((_LANES,), jnp.int32)
        r2f = jnp.zeros((_LANES,), jnp.int32)
        k1f = jnp.zeros((_LANES,), jnp.bool_)
        k2f = jnp.zeros((_LANES,), jnp.bool_)
        for e in range(num_experts):
            m1 = t1v == e
            m1i = m1.astype(jnp.int32)
            c1e = run1v[e]
            r1 = c1e + plsc.cumsum(m1i) - 1
            k1 = m1 & (r1 < capacity)
            r1f = jnp.where(k1, r1, r1f)
            k1f = k1f | k1
            run1v = jnp.where(lane == e, run1v + jnp.sum(m1i), run1v)
            m2 = t2v == e
            m2i = m2.astype(jnp.int32)
            c2e = run2v[e]
            r2 = c2e + plsc.cumsum(m2i) - 1
            k2 = m2 & (r2 < capacity)
            r2f = jnp.where(k2, r2, r2f)
            k2f = k2f | k2
            run2v = jnp.where(lane == e, run2v + jnp.sum(m2i), run2v)
        lo = off * num_experts
        for j in range(num_experts):
            rloc[pl.ds(lo + j * _LANES, _LANES)] = jnp.full((_LANES,), -1,
                                                            jnp.int32)
            wloc[pl.ds(lo + j * _LANES, _LANES)] = jnp.zeros((_LANES,),
                                                             jnp.float32)
        toki = (jnp.full((_LANES,), off, jnp.int32) + lane) * num_experts
        plsc.store_scatter(rloc, [toki + t1v], r1f, mask=k1f)
        plsc.store_scatter(rloc, [toki + t2v], r2f, mask=k2f)
        plsc.store_scatter(wloc, [toki + t1v], v1v, mask=k1f)
        plsc.store_scatter(wloc, [toki + t2v], v2v, mask=k2f)
        return run1v, run2v
    lax.fori_loop(0, n_grp, phase2, (run1_0, run2_0))

    pltpu.sync_copy(rloc, rf_hbm.at[pl.ds(base * num_experts,
                                          chunk * num_experts)])
    pltpu.sync_copy(wloc, wf_hbm.at[pl.ds(base * num_experts,
                                          chunk * num_experts)])


def _sc_router(x, capacity):
    num_tokens, num_experts = x.shape
    mesh = plsc.VectorSubcoreMesh(
        core_axis_name="c", subcore_axis_name="s", num_cores=1,
        num_subcores=_NSUB)
    chunk = num_tokens // _NSUB
    flat = num_tokens * num_experts
    body = functools.partial(_sc_router_body, num_tokens, num_experts,
                             capacity)
    return pl.kernel(
        body,
        out_type=(
            jax.ShapeDtypeStruct((flat,), jnp.int32),
            jax.ShapeDtypeStruct((flat,), jnp.float32),
            jax.ShapeDtypeStruct((_NSUB, _LANES), jnp.int32),
            jax.ShapeDtypeStruct((_NSUB, _LANES), jnp.int32),
        ),
        mesh=mesh,
        compiler_params=pltpu.CompilerParams(needs_layout_passes=False),
        scratch_types=[
            pltpu.VMEM((chunk, num_experts), jnp.float32),
            pltpu.VMEM((chunk,), jnp.int32),
            pltpu.VMEM((chunk,), jnp.int32),
            pltpu.VMEM((chunk,), jnp.float32),
            pltpu.VMEM((chunk,), jnp.float32),
            pltpu.VMEM((_LANES,), jnp.int32),
            pltpu.VMEM((_LANES,), jnp.int32),
            pltpu.VMEM((chunk * num_experts,), jnp.int32),
            pltpu.VMEM((chunk * num_experts,), jnp.float32),
            pltpu.VMEM((_NSUB, _LANES), jnp.int32),
            pltpu.VMEM((_NSUB, _LANES), jnp.int32),
        ],
    )(x)


def _tc_materialize_body(capacity, blk, num_experts, r_ref, w_ref,
                         c1_ref, c2_ref, cb_ref, mask_ref, used_ref):
    r = r_ref[...][:, :, None]
    w = w_ref[...][:, :, None]
    iota = lax.broadcasted_iota(jnp.int32, (blk, num_experts, capacity), 2)
    eq = iota == r
    cb_ref[...] = jnp.where(eq, w, jnp.zeros_like(w))
    mask_ref[...] = jnp.where(eq & (w > 0), 1, 0).astype(jnp.int8)

    @pl.when(pl.program_id(0) == 0)
    def _used():
        tots = jnp.sum(c1_ref[...] + c2_ref[...], axis=0)
        used_ref[...] = jnp.minimum(tots, capacity)[:num_experts].reshape(
            1, num_experts)


def _tc_materialize(r, w, c1tab, c2tab, capacity):
    num_tokens, num_experts = r.shape
    blk = 256
    body = functools.partial(_tc_materialize_body, capacity, blk, num_experts)
    return pl.pallas_call(
        body,
        grid=(num_tokens // blk,),
        in_specs=[
            pl.BlockSpec((blk, num_experts), lambda i: (i, 0)),
            pl.BlockSpec((blk, num_experts), lambda i: (i, 0)),
            pl.BlockSpec(c1tab.shape, lambda i: (0, 0)),
            pl.BlockSpec(c2tab.shape, lambda i: (0, 0)),
        ],
        out_specs=[
            pl.BlockSpec((blk, num_experts, capacity), lambda i: (i, 0, 0)),
            pl.BlockSpec((blk, num_experts, capacity), lambda i: (i, 0, 0)),
            pl.BlockSpec((1, num_experts), lambda i: (0, 0)),
        ],
        out_shape=[
            jax.ShapeDtypeStruct((num_tokens, num_experts, capacity),
                                 jnp.float32),
            jax.ShapeDtypeStruct((num_tokens, num_experts, capacity),
                                 jnp.int8),
            jax.ShapeDtypeStruct((1, num_experts), jnp.int32),
        ],
    )(r, w, c1tab, c2tab)


def kernel(inputs):
    num_tokens, num_experts = inputs.shape
    capacity = math.floor(2 * 1.25 * num_tokens / num_experts)
    capacity += capacity % 2
    capacity = max(capacity, 4)

    rf, wf, c1tab, c2tab = _sc_router(inputs, capacity)
    r = rf.reshape(num_tokens, num_experts)
    w = wf.reshape(num_tokens, num_experts)
    cb_weight, sec_mask_i8, used = _tc_materialize(r, w, c1tab, c2tab,
                                                   capacity)
    return (used.reshape(num_experts), cb_weight,
            sec_mask_i8.view(jnp.bool_))

# --- scband reference (transcript-rebuilt; emitter-appended) ---
"""Pipeline reference for scband-top2-router-25305947308557 (READ-ONLY COPY).

The authoritative reference and input builder live on the scoring server;
editing this copy changes nothing except your own understanding.
"""

import math
import jax, jax.numpy as jnp
import numpy as np

K_VALUE = 2
CAPACITY_FACTOR_TRAIN = 1.25
MIN_CAPACITY = 4


def setup_inputs(seed: int = 0) -> dict:
    key = jax.random.key(seed)
    inputs = jax.random.normal(key, (4096, 8), dtype=jnp.float32)
    return {"inputs": inputs}


def reference(inputs):
    num_tokens, num_experts = inputs.shape
    probs = jax.nn.softmax(inputs, axis=-1)
    # get_capacity (training mode, no ep_group)
    capacity = math.floor(K_VALUE * CAPACITY_FACTOR_TRAIN * num_tokens / num_experts)
    capacity += capacity % 2
    capacity = max(capacity, MIN_CAPACITY)
    # top-1 / top-2 expert selection
    top1_idx = jnp.argmax(probs, axis=-1)
    mask1 = jax.nn.one_hot(top1_idx, num_experts, dtype=jnp.int32)
    logits_except1 = jnp.where(mask1.astype(bool), -jnp.inf, probs)
    top2_idx = jnp.argmax(logits_except1, axis=-1)
    mask2 = jax.nn.one_hot(top2_idx, num_experts, dtype=jnp.int32)
    # moe_cumsum: exclusive rank = cumsum - 1
    rank1 = jnp.cumsum(mask1, axis=0) - 1
    rank2 = jnp.cumsum(mask2, axis=0) - 1
    rank2 = rank2 + jnp.sum(mask1, axis=0, keepdims=True)
    # capacity dropping
    mask1 = mask1 * (rank1 < capacity).astype(jnp.int32)
    mask2 = mask2 * (rank2 < capacity).astype(jnp.int32)
    used_capacity = mask1.sum(axis=0) + mask2.sum(axis=0)
    rank1 = jnp.sum(mask1 * rank1, axis=-1)
    rank2 = jnp.sum(mask2 * rank2, axis=-1)
    weight1 = mask1.astype(probs.dtype) * probs
    weight2 = mask2.astype(probs.dtype) * probs
    rank1_sc = jax.nn.one_hot(rank1, capacity, dtype=probs.dtype)
    rank2_sc = jax.nn.one_hot(rank2, capacity, dtype=probs.dtype)
    cb_weight1 = weight1[:, :, None] * rank1_sc[:, None, :]
    cb_weight2 = weight2[:, :, None] * rank2_sc[:, None, :]
    cb_weight = cb_weight1 + cb_weight2
    sec_mask = cb_weight > 0
    return used_capacity, cb_weight, sec_mask

if __name__ == "__main__":
    import jax
    _d = setup_inputs()
    print(jax.jit(kernel)(*tuple(_d.values())))

</pallas_src>

<mosaic_0001>
#map = affine_map<(d0, d1) -> (0, 0)>
#map1 = affine_map<(d0, d1) -> (0)>
module attributes {stable_mosaic.version = 14 : i64} {
  func.func @_sc_router_body(%arg0: i32, %arg1: i32, %arg2: memref<4096x8xf32, #tpu.memory_space<hbm>>, %arg3: memref<32768xi32, #tpu.memory_space<hbm>>, %arg4: memref<32768xf32, #tpu.memory_space<hbm>>, %arg5: memref<16x16xi32, #tpu.memory_space<hbm>>, %arg6: memref<16x16xi32, #tpu.memory_space<hbm>>, %arg7: memref<256x8xf32, #tpu.memory_space<vmem>>, %arg8: memref<256xi32, #tpu.memory_space<vmem>>, %arg9: memref<256xi32, #tpu.memory_space<vmem>>, %arg10: memref<256xf32, #tpu.memory_space<vmem>>, %arg11: memref<256xf32, #tpu.memory_space<vmem>>, %arg12: memref<16xi32, #tpu.memory_space<vmem>>, %arg13: memref<16xi32, #tpu.memory_space<vmem>>, %arg14: memref<2048xi32, #tpu.memory_space<vmem>>, %arg15: memref<2048xf32, #tpu.memory_space<vmem>>, %arg16: memref<16x16xi32, #tpu.memory_space<vmem>>, %arg17: memref<16x16xi32, #tpu.memory_space<vmem>>) attributes {dimension_semantics = [#tpu.dimension_semantics<core_parallel>, #tpu.dimension_semantics<subcore_parallel>], iteration_bounds = array<i64: 1, 16>, scalar_prefetch = 0 : i64, scratch_operands = 11 : i64, tpu.core_type = #tpu.core_type<sc_vector_subcore>, window_params = [{transform_indices = #map}, {transform_indices = #map1}, {transform_indices = #map1}, {transform_indices = #map}, {transform_indices = #map}]} {
    %mul3A = arith.constant 256 : i32
    %mul3A_0 = arith.muli %arg1, %mul3A : i32
    %iota3A = tpu.iota {dimensions = array<i32: 0>} : vector<16xi32>
    "tpu.region"() ({
      %run_scoped3A = tpu.sem_alloc : memref<!tpu.dma_semaphore, #tpu.memory_space<semaphore_mem>>
      %dma_start3A = arith.constant 0 : i32
      %dma_start3A_329 = tpu.memref_slice %arg2[%mul3A_0, %dma_start3A] : memref<4096x8xf32, #tpu.memory_space<hbm>> -> memref<256x8xf32, #tpu.memory_space<hbm>>
      %dma_start3A_330 = arith.constant 0 : i32
      %dma_start3A_331 = tpu.memref_slice %arg2[%mul3A_0, %dma_start3A_330] : memref<4096x8xf32, #tpu.memory_space<hbm>> -> memref<256x8xf32, #tpu.memory_space<hbm>>
      tpu.enqueue_dma source(%dma_start3A_331 : memref<256x8xf32, #tpu.memory_space<hbm>>) target(%arg7 : memref<256x8xf32, #tpu.memory_space<vmem>>) target_semaphore(%run_scoped3A : memref<!tpu.dma_semaphore, #tpu.memory_space<semaphore_mem>>)
      %dma_wait3A = arith.constant 0 : i32
      %dma_wait3A_332 = tpu.memref_slice %arg2[%mul3A_0, %dma_wait3A] : memref<4096x8xf32, #tpu.memory_space<hbm>> -> memref<256x8xf32, #tpu.memory_space<hbm>>
      %dma_wait3A_333 = arith.constant 0 : i32
      %dma_wait3A_334 = tpu.memref_slice %arg2[%mul3A_0, %dma_wait3A_333] : memref<4096x8xf32, #tpu.memory_space<hbm>> -> memref<256x8xf32, #tpu.memory_space<hbm>>
      tpu.wait_dma2 semaphore(%run_scoped3A : memref<!tpu.dma_semaphore, #tpu.memory_space<semaphore_mem>>) src(%dma_wait3A_334 : memref<256x8xf32, #tpu.memory_space<hbm>>) dst(%arg7 : memref<256x8xf32, #tpu.memory_space<vmem>>)
      tpu.yield
    }) : () -> ()
    %broadcast_in_dim3A = arith.constant 0 : i32
    %broadcast_in_dim3A_1 = vector.broadcast %broadcast_in_dim3A : i32 to vector<16xi32>
    %scan3A = arith.constant 0 : i32
    %scan3A_2 = arith.constant 16 : i32
    %scan3A_3 = arith.addi %scan3A, %scan3A_2 : i32
    %scan3A_4 = arith.constant 1 : i32
    %scan3A_5:2 = scf.for %scan3A_329 = %scan3A to %scan3A_3 step %scan3A_4 iter_args(%scan3A_330 = %broadcast_in_dim3A_1, %scan3A_331 = %broadcast_in_dim3A_1) -> (vector<16xi32>, vector<16xi32>)  : i32 {
      %mul3A_332 = arith.constant 16 : i32
      %mul3A_333 = arith.muli %scan3A_329, %mul3A_332 : i32
      %broadcast_in_dim3A_334 = vector.broadcast %mul3A_333 : i32 to vector<16xi32>
      %add3A_335 = arith.addi %broadcast_in_dim3A_334, %iota3A : vector<16xi32>
      %broadcast_in_dim3A_336 = arith.constant 0 : i32
      %broadcast_in_dim3A_337 = vector.broadcast %broadcast_in_dim3A_336 : i32 to vector<16xi32>
      %gather3A = tpu.vector_load_idx %arg7[%add3A_335, %broadcast_in_dim3A_337] : memref<256x8xf32, #tpu.memory_space<vmem>>[vector<16xi32>, vector<16xi32>], vector<16xf32>,
      %broadcast_in_dim3A_338 = arith.constant 1 : i32
      %broadcast_in_dim3A_339 = vector.broadcast %broadcast_in_dim3A_338 : i32 to vector<16xi32>
      %gather3A_340 = tpu.vector_load_idx %arg7[%add3A_335, %broadcast_in_dim3A_339] : memref<256x8xf32, #tpu.memory_space<vmem>>[vector<16xi32>, vector<16xi32>], vector<16xf32>,
      %broadcast_in_dim3A_341 = arith.constant 2 : i32
      %broadcast_in_dim3A_342 = vector.broadcast %broadcast_in_dim3A_341 : i32 to vector<16xi32>
      %gather3A_343 = tpu.vector_load_idx %arg7[%add3A_335, %broadcast_in_dim3A_342] : memref<256x8xf32, #tpu.memory_space<vmem>>[vector<16xi32>, vector<16xi32>], vector<16xf32>,
      %broadcast_in_dim3A_344 = arith.constant 3 : i32
      %broadcast_in_dim3A_345 = vector.broadcast %broadcast_in_dim3A_344 : i32 to vector<16xi32>
      %gather3A_346 = tpu.vector_load_idx %arg7[%add3A_335, %broadcast_in_dim3A_345] : memref<256x8xf32, #tpu.memory_space<vmem>>[vector<16xi32>, vector<16xi32>], vector<16xf32>,
      %broadcast_in_dim3A_347 = arith.constant 4 : i32
      %broadcast_in_dim3A_348 = vector.broadcast %broadcast_in_dim3A_347 : i32 to vector<16xi32>
      %gather3A_349 = tpu.vector_load_idx %arg7[%add3A_335, %broadcast_in_dim3A_348] : memref<256x8xf32, #tpu.memory_space<vmem>>[vector<16xi32>, vector<16xi32>], vector<16xf32>,
      %broadcast_in_dim3A_350 = arith.constant 5 : i32
      %broadcast_in_dim3A_351 = vector.broadcast %broadcast_in_dim3A_350 : i32 to vector<16xi32>
      %gather3A_352 = tpu.vector_load_idx %arg7[%add3A_335, %broadcast_in_dim3A_351] : memref<256x8xf32, #tpu.memory_space<vmem>>[vector<16xi32>, vector<16xi32>], vector<16xf32>,
      %broadcast_in_dim3A_353 = arith.constant 6 : i32
      %broadcast_in_dim3A_354 = vector.broadcast %broadcast_in_dim3A_353 : i32 to vector<16xi32>
      %gather3A_355 = tpu.vector_load_idx %arg7[%add3A_335, %broadcast_in_dim3A_354] : memref<256x8xf32, #tpu.memory_space<vmem>>[vector<16xi32>, vector<16xi32>], vector<16xf32>,
      %broadcast_in_dim3A_356 = arith.constant 7 : i32
      %broadcast_in_dim3A_357 = vector.broadcast %broadcast_in_dim3A_356 : i32 to vector<16xi32>
      %gather3A_358 = tpu.vector_load_idx %arg7[%add3A_335, %broadcast_in_dim3A_357] : memref<256x8xf32, #tpu.memory_space<vmem>>[vector<16xi32>, vector<16xi32>], vector<16xf32>,
      %max3A = arith.maximumf %gather3A, %gather3A_340 : vector<16xf32>
      %max3A_359 = arith.maximumf %max3A, %gather3A_343 : vector<16xf32>
      %max3A_360 = arith.maximumf %max3A_359, %gather3A_346 : vector<16xf32>
      %max3A_361 = arith.maximumf %max3A_360, %gather3A_349 : vector<16xf32>
      %max3A_362 = arith.maximumf %max3A_361, %gather3A_352 : vector<16xf32>
      %max3A_363 = arith.maximumf %max3A_362, %gather3A_355 : vector<16xf32>
      %max3A_364 = arith.maximumf %max3A_363, %gather3A_358 : vector<16xf32>
      %sub3A = arith.subf %gather3A, %max3A_364 : vector<16xf32>
      %exp3A = math.exp %sub3A : vector<16xf32>
      %sub3A_365 = arith.subf %gather3A_340, %max3A_364 : vector<16xf32>
      %exp3A_366 = math.exp %sub3A_365 : vector<16xf32>
      %sub3A_367 = arith.subf %gather3A_343, %max3A_364 : vector<16xf32>
      %exp3A_368 = math.exp %sub3A_367 : vector<16xf32>
      %sub3A_369 = arith.subf %gather3A_346, %max3A_364 : vector<16xf32>
      %exp3A_370 = math.exp %sub3A_369 : vector<16xf32>
      %sub3A_371 = arith.subf %gather3A_349, %max3A_364 : vector<16xf32>
      %exp3A_372 = math.exp %sub3A_371 : vector<16xf32>
      %sub3A_373 = arith.subf %gather3A_352, %max3A_364 : vector<16xf32>
      %exp3A_374 = math.exp %sub3A_373 : vector<16xf32>
      %sub3A_375 = arith.subf %gather3A_355, %max3A_364 : vector<16xf32>
      %exp3A_376 = math.exp %sub3A_375 : vector<16xf32>
      %sub3A_377 = arith.subf %gather3A_358, %max3A_364 : vector<16xf32>
      %exp3A_378 = math.exp %sub3A_377 : vector<16xf32>
      %add3A_379 = arith.addf %exp3A, %exp3A_366 : vector<16xf32>
      %add3A_380 = arith.addf %add3A_379, %exp3A_368 : vector<16xf32>
      %add3A_381 = arith.addf %add3A_380, %exp3A_370 : vector<16xf32>
      %add3A_382 = arith.addf %add3A_381, %exp3A_372 : vector<16xf32>
      %add3A_383 = arith.addf %add3A_382, %exp3A_374 : vector<16xf32>
      %add3A_384 = arith.addf %add3A_383, %exp3A_376 : vector<16xf32>
      %add3A_385 = arith.addf %add3A_384, %exp3A_378 : vector<16xf32>
      %div3A = arith.constant 1.000000e+00 : f32
      %div3A_386 = vector.broadcast %div3A : f32 to vector<16xf32>
      %div3A_387 = arith.divf %div3A_386, %add3A_385 : vector<16xf32>
      %mul3A_388 = arith.mulf %exp3A, %div3A_387 : vector<16xf32>
      %mul3A_389 = arith.mulf %exp3A_366, %div3A_387 : vector<16xf32>
      %mul3A_390 = arith.mulf %exp3A_368, %div3A_387 : vector<16xf32>
      %mul3A_391 = arith.mulf %exp3A_370, %div3A_387 : vector<16xf32>
      %mul3A_392 = arith.mulf %exp3A_372, %div3A_387 : vector<16xf32>
      %mul3A_393 = arith.mulf %exp3A_374, %div3A_387 : vector<16xf32>
      %mul3A_394 = arith.mulf %exp3A_376, %div3A_387 : vector<16xf32>
      %mul3A_395 = arith.mulf %exp3A_378, %div3A_387 : vector<16xf32>
      %broadcast_in_dim3A_396 = arith.constant 0 : i32
      %broadcast_in_dim3A_397 = vector.broadcast %broadcast_in_dim3A_396 : i32 to vector<16xi32>
      %gt3A = arith.cmpf ogt, %mul3A_389, %mul3A_388 : vector<16xf32>
      %select_n3A = arith.select %gt3A, %mul3A_389, %mul3A_388 : vector<16xi1>, vector<16xf32>
      %broadcast_in_dim3A_398 = arith.constant 1 : i32
      %broadcast_in_dim3A_399 = vector.broadcast %broadcast_in_dim3A_398 : i32 to vector<16xi32>
      %select_n3A_400 = arith.select %gt3A, %broadcast_in_dim3A_399, %broadcast_in_dim3A_397 : vector<16xi1>, vector<16xi32>
      %gt3A_401 = arith.cmpf ogt, %mul3A_390, %select_n3A : vector<16xf32>
      %select_n3A_402 = arith.select %gt3A_401, %mul3A_390, %select_n3A : vector<16xi1>, vector<16xf32>
      %broadcast_in_dim3A_403 = arith.constant 2 : i32
      %broadcast_in_dim3A_404 = vector.broadcast %broadcast_in_dim3A_403 : i32 to vector<16xi32>
      %select_n3A_405 = arith.select %gt3A_401, %broadcast_in_dim3A_404, %select_n3A_400 : vector<16xi1>, vector<16xi32>
      %gt3A_406 = arith.cmpf ogt, %mul3A_391, %select_n3A_402 : vector<16xf32>
      %select_n3A_407 = arith.select %gt3A_406, %mul3A_391, %select_n3A_402 : vector<16xi1>, vector<16xf32>
      %broadcast_in_dim3A_408 = arith.constant 3 : i32
      %broadcast_in_dim3A_409 = vector.broadcast %broadcast_in_dim3A_408 : i32 to vector<16xi32>
      %select_n3A_410 = arith.select %gt3A_406, %broadcast_in_dim3A_409, %select_n3A_405 : vector<16xi1>, vector<16xi32>
      %gt3A_411 = arith.cmpf ogt, %mul3A_392, %select_n3A_407 : vector<16xf32>
      %select_n3A_412 = arith.select %gt3A_411, %mul3A_392, %select_n3A_407 : vector<16xi1>, vector<16xf32>
      %broadcast_in_dim3A_413 = arith.constant 4 : i32
      %broadcast_in_dim3A_414 = vector.broadcast %broadcast_in_dim3A_413 : i32 to vector<16xi32>
      %select_n3A_415 = arith.select %gt3A_411, %broadcast_in_dim3A_414, %select_n3A_410 : vector<16xi1>, vector<16xi32>
      %gt3A_416 = arith.cmpf ogt, %mul3A_393, %select_n3A_412 : vector<16xf32>
      %select_n3A_417 = arith.select %gt3A_416, %mul3A_393, %select_n3A_412 : vector<16xi1>, vector<16xf32>
      %broadcast_in_dim3A_418 = arith.constant 5 : i32
      %broadcast_in_dim3A_419 = vector.broadcast %broadcast_in_dim3A_418 : i32 to vector<16xi32>
      %select_n3A_420 = arith.select %gt3A_416, %broadcast_in_dim3A_419, %select_n3A_415 : vector<16xi1>, vector<16xi32>
      %gt3A_421 = arith.cmpf ogt, %mul3A_394, %select_n3A_417 : vector<16xf32>
      %select_n3A_422 = arith.select %gt3A_421, %mul3A_394, %select_n3A_417 : vector<16xi1>, vector<16xf32>
      %broadcast_in_dim3A_423 = arith.constant 6 : i32
      %broadcast_in_dim3A_424 = vector.broadcast %broadcast_in_dim3A_423 : i32 to vector<16xi32>
      %select_n3A_425 = arith.select %gt3A_421, %broadcast_in_dim3A_424, %select_n3A_420 : vector<16xi1>, vector<16xi32>
      %gt3A_426 = arith.cmpf ogt, %mul3A_395, %select_n3A_422 : vector<16xf32>
      %select_n3A_427 = arith.select %gt3A_426, %mul3A_395, %select_n3A_422 : vector<16xi1>, vector<16xf32>
      %broadcast_in_dim3A_428 = arith.constant 7 : i32
      %broadcast_in_dim3A_429 = vector.broadcast %broadcast_in_dim3A_428 : i32 to vector<16xi32>
      %select_n3A_430 = arith.select %gt3A_426, %broadcast_in_dim3A_429, %select_n3A_425 : vector<16xi1>, vector<16xi32>
      %broadcast_in_dim3A_431 = arith.constant 0xFF800000 : f32
      %broadcast_in_dim3A_432 = vector.broadcast %broadcast_in_dim3A_431 : f32 to vector<16xf32>
      %broadcast_in_dim3A_433 = arith.constant 0 : i32
      %broadcast_in_dim3A_434 = vector.broadcast %broadcast_in_dim3A_433 : i32 to vector<16xi32>
      %ne3A = arith.constant 0 : i32
      %ne3A_435 = vector.broadcast %ne3A : i32 to vector<16xi32>
      %ne3A_436 = arith.cmpi ne, %select_n3A_430, %ne3A_435 : vector<16xi32>
      %gt3A_437 = arith.cmpf ogt, %mul3A_388, %broadcast_in_dim3A_432 : vector<16xf32>
      %and3A = arith.andi %ne3A_436, %gt3A_437 : vector<16xi1>
      %select_n3A_438 = arith.select %and3A, %mul3A_388, %broadcast_in_dim3A_432 : vector<16xi1>, vector<16xf32>
      %broadcast_in_dim3A_439 = arith.constant 0 : i32
      %broadcast_in_dim3A_440 = vector.broadcast %broadcast_in_dim3A_439 : i32 to vector<16xi32>
      %select_n3A_441 = arith.select %and3A, %broadcast_in_dim3A_440, %broadcast_in_dim3A_434 : vector<16xi1>, vector<16xi32>
      %ne3A_442 = arith.constant 1 : i32
      %ne3A_443 = vector.broadcast %ne3A_442 : i32 to vector<16xi32>
      %ne3A_444 = arith.cmpi ne, %select_n3A_430, %ne3A_443 : vector<16xi32>
      %gt3A_445 = arith.cmpf ogt, %mul3A_389, %select_n3A_438 : vector<16xf32>
      %and3A_446 = arith.andi %ne3A_444, %gt3A_445 : vector<16xi1>
      %select_n3A_447 = arith.select %and3A_446, %mul3A_389, %select_n3A_438 : vector<16xi1>, vector<16xf32>
      %broadcast_in_dim3A_448 = arith.constant 1 : i32
      %broadcast_in_dim3A_449 = vector.broadcast %broadcast_in_dim3A_448 : i32 to vector<16xi32>
      %select_n3A_450 = arith.select %and3A_446, %broadcast_in_dim3A_449, %select_n3A_441 : vector<16xi1>, vector<16xi32>
      %ne3A_451 = arith.constant 2 : i32
      %ne3A_452 = vector.broadcast %ne3A_451 : i32 to vector<16xi32>
      %ne3A_453 = arith.cmpi ne, %select_n3A_430, %ne3A_452 : vector<16xi32>
      %gt3A_454 = arith.cmpf ogt, %mul3A_390, %select_n3A_447 : vector<16xf32>
      %and3A_455 = arith.andi %ne3A_453, %gt3A_454 : vector<16xi1>
      %select_n3A_456 = arith.select %and3A_455, %mul3A_390, %select_n3A_447 : vector<16xi1>, vector<16xf32>
      %broadcast_in_dim3A_457 = arith.constant 2 : i32
      %broadcast_in_dim3A_458 = vector.broadcast %broadcast_in_dim3A_457 : i32 to vector<16xi32>
      %select_n3A_459 = arith.select %and3A_455, %broadcast_in_dim3A_458, %select_n3A_450 : vector<16xi1>, vector<16xi32>
      %ne3A_460 = arith.constant 3 : i32
      %ne3A_461 = vector.broadcast %ne3A_460 : i32 to vector<16xi32>
      %ne3A_462 = arith.cmpi ne, %select_n3A_430, %ne3A_461 : vector<16xi32>
      %gt3A_463 = arith.cmpf ogt, %mul3A_391, %select_n3A_456 : vector<16xf32>
      %and3A_464 = arith.andi %ne3A_462, %gt3A_463 : vector<16xi1>
      %select_n3A_465 = arith.select %and3A_464, %mul3A_391, %select_n3A_456 : vector<16xi1>, vector<16xf32>
      %broadcast_in_dim3A_466 = arith.constant 3 : i32
      %broadcast_in_dim3A_467 = vector.broadcast %broadcast_in_dim3A_466 : i32 to vector<16xi32>
      %select_n3A_468 = arith.select %and3A_464, %broadcast_in_dim3A_467, %select_n3A_459 : vector<16xi1>, vector<16xi32>
      %ne3A_469 = arith.constant 4 : i32
      %ne3A_470 = vector.broadcast %ne3A_469 : i32 to vector<16xi32>
      %ne3A_471 = arith.cmpi ne, %select_n3A_430, %ne3A_470 : vector<16xi32>
      %gt3A_472 = arith.cmpf ogt, %mul3A_392, %select_n3A_465 : vector<16xf32>
      %and3A_473 = arith.andi %ne3A_471, %gt3A_472 : vector<16xi1>
      %select_n3A_474 = arith.select %and3A_473, %mul3A_392, %select_n3A_465 : vector<16xi1>, vector<16xf32>
      %broadcast_in_dim3A_475 = arith.constant 4 : i32
      %broadcast_in_dim3A_476 = vector.broadcast %broadcast_in_dim3A_475 : i32 to vector<16xi32>
      %select_n3A_477 = arith.select %and3A_473, %broadcast_in_dim3A_476, %select_n3A_468 : vector<16xi1>, vector<16xi32>
      %ne3A_478 = arith.constant 5 : i32
      %ne3A_479 = vector.broadcast %ne3A_478 : i32 to vector<16xi32>
      %ne3A_480 = arith.cmpi ne, %select_n3A_430, %ne3A_479 : vector<16xi32>
      %gt3A_481 = arith.cmpf ogt, %mul3A_393, %select_n3A_474 : vector<16xf32>
      %and3A_482 = arith.andi %ne3A_480, %gt3A_481 : vector<16xi1>
      %select_n3A_483 = arith.select %and3A_482, %mul3A_393, %select_n3A_474 : vector<16xi1>, vector<16xf32>
      %broadcast_in_dim3A_484 = arith.constant 5 : i32
      %broadcast_in_dim3A_485 = vector.broadcast %broadcast_in_dim3A_484 : i32 to vector<16xi32>
      %select_n3A_486 = arith.select %and3A_482, %broadcast_in_dim3A_485, %select_n3A_477 : vector<16xi1>, vector<16xi32>
      %ne3A_487 = arith.constant 6 : i32
      %ne3A_488 = vector.broadcast %ne3A_487 : i32 to vector<16xi32>
      %ne3A_489 = arith.cmpi ne, %select_n3A_430, %ne3A_488 : vector<16xi32>
      %gt3A_490 = arith.cmpf ogt, %mul3A_394, %select_n3A_483 : vector<16xf32>
      %and3A_491 = arith.andi %ne3A_489, %gt3A_490 : vector<16xi1>
      %select_n3A_492 = arith.select %and3A_491, %mul3A_394, %select_n3A_483 : vector<16xi1>, vector<16xf32>
      %broadcast_in_dim3A_493 = arith.constant 6 : i32
      %broadcast_in_dim3A_494 = vector.broadcast %broadcast_in_dim3A_493 : i32 to vector<16xi32>
      %select_n3A_495 = arith.select %and3A_491, %broadcast_in_dim3A_494, %select_n3A_486 : vector<16xi1>, vector<16xi32>
      %ne3A_496 = arith.constant 7 : i32
      %ne3A_497 = vector.broadcast %ne3A_496 : i32 to vector<16xi32>
      %ne3A_498 = arith.cmpi ne, %select_n3A_430, %ne3A_497 : vector<16xi32>
      %gt3A_499 = arith.cmpf ogt, %mul3A_395, %select_n3A_492 : vector<16xf32>
      %and3A_500 = arith.andi %ne3A_498, %gt3A_499 : vector<16xi1>
      %select_n3A_501 = arith.select %and3A_500, %mul3A_395, %select_n3A_492 : vector<16xi1>, vector<16xf32>
      %broadcast_in_dim3A_502 = arith.constant 7 : i32
      %broadcast_in_dim3A_503 = vector.broadcast %broadcast_in_dim3A_502 : i32 to vector<16xi32>
      %select_n3A_504 = arith.select %and3A_500, %broadcast_in_dim3A_503, %select_n3A_495 : vector<16xi1>, vector<16xi32>
      %swap3A_505 = arith.index_cast %mul3A_333 : i32 to index
      %swap3A_506 = tpu.vector_load %arg8[%swap3A_505] {strides = array<i32>} : memref<256xi32, #tpu.memory_space<vmem>>, vector<16xi32>,
      tpu.vector_store %arg8[%swap3A_505], %select_n3A_430 {strides = array<i32>} : memref<256xi32, #tpu.memory_space<vmem>>, vector<16xi32>,
      %swap3A_507 = arith.index_cast %mul3A_333 : i32 to index
      %swap3A_508 = tpu.vector_load %arg9[%swap3A_507] {strides = array<i32>} : memref<256xi32, #tpu.memory_space<vmem>>, vector<16xi32>,
      tpu.vector_store %arg9[%swap3A_507], %select_n3A_504 {strides = array<i32>} : memref<256xi32, #tpu.memory_space<vmem>>, vector<16xi32>,
      %swap3A_509 = arith.index_cast %mul3A_333 : i32 to index
      %swap3A_510 = tpu.vector_load %arg10[%swap3A_509] {strides = array<i32>} : memref<256xf32, #tpu.memory_space<vmem>>, vector<16xf32>,
      tpu.vector_store %arg10[%swap3A_509], %select_n3A_427 {strides = array<i32>} : memref<256xf32, #tpu.memory_space<vmem>>, vector<16xf32>,
      %swap3A_511 = arith.index_cast %mul3A_333 : i32 to index
      %swap3A_512 = tpu.vector_load %arg11[%swap3A_511] {strides = array<i32>} : memref<256xf32, #tpu.memory_space<vmem>>, vector<16xf32>,
      tpu.vector_store %arg11[%swap3A_511], %select_n3A_501 {strides = array<i32>} : memref<256xf32, #tpu.memory_space<vmem>>, vector<16xf32>,
      %eq3A = arith.constant 0 : i32
      %eq3A_513 = vector.broadcast %eq3A : i32 to vector<16xi32>
      %eq3A_514 = arith.cmpi eq, %select_n3A_430, %eq3A_513 : vector<16xi32>
      %convert_element_type3A_515 = arith.extui %eq3A_514 : vector<16xi1> to vector<16xi32>
      %reduce_sum3A = arith.constant true
      %reduce_sum3A_516 = vector.broadcast %reduce_sum3A : i1 to vector<16xi1>
      %reduce_sum3A_517 = tpu.scan <sum>, %convert_element_type3A_515 masked %reduce_sum3A_516 : vector<16xi32>, vector<16xi1> -> vector<16xi32>
      %reduce_sum3A_518 = vector.extract %reduce_sum3A_517[15] : i32 from vector<16xi32>
      %eq3A_519 = arith.constant 0 : i32
      %eq3A_520 = vector.broadcast %eq3A_519 : i32 to vector<16xi32>
      %eq3A_521 = arith.cmpi eq, %select_n3A_504, %eq3A_520 : vector<16xi32>
      %convert_element_type3A_522 = arith.extui %eq3A_521 : vector<16xi1> to vector<16xi32>
      %reduce_sum3A_523 = arith.constant true
      %reduce_sum3A_524 = vector.broadcast %reduce_sum3A_523 : i1 to vector<16xi1>
      %reduce_sum3A_525 = tpu.scan <sum>, %convert_element_type3A_522 masked %reduce_sum3A_524 : vector<16xi32>, vector<16xi1> -> vector<16xi32>
      %reduce_sum3A_526 = vector.extract %reduce_sum3A_525[15] : i32 from vector<16xi32>
      %eq3A_527 = arith.constant 0 : i32
      %eq3A_528 = vector.broadcast %eq3A_527 : i32 to vector<16xi32>
      %eq3A_529 = arith.cmpi eq, %iota3A, %eq3A_528 : vector<16xi32>
      %add3A_530 = vector.broadcast %reduce_sum3A_518 : i32 to vector<16xi32>
      %add3A_531 = arith.addi %scan3A_330, %add3A_530 : vector<16xi32>
      %select_n3A_532 = arith.select %eq3A_529, %add3A_531, %scan3A_330 : vector<16xi1>, vector<16xi32>
      %eq3A_533 = arith.constant 0 : i32
      %eq3A_534 = vector.broadcast %eq3A_533 : i32 to vector<16xi32>
      %eq3A_535 = arith.cmpi eq, %iota3A, %eq3A_534 : vector<16xi32>
      %add3A_536 = vector.broadcast %reduce_sum3A_526 : i32 to vector<16xi32>
      %add3A_537 = arith.addi %scan3A_331, %add3A_536 : vector<16xi32>
      %select_n3A_538 = arith.select %eq3A_535, %add3A_537, %scan3A_331 : vector<16xi1>, vector<16xi32>
      %eq3A_539 = arith.constant 1 : i32
      %eq3A_540 = vector.broadcast %eq3A_539 : i32 to vector<16xi32>
      %eq3A_541 = arith.cmpi eq, %select_n3A_430, %eq3A_540 : vector<16xi32>
      %convert_element_type3A_542 = arith.extui %eq3A_541 : vector<16xi1> to vector<16xi32>
      %reduce_sum3A_543 = arith.constant true
      %reduce_sum3A_544 = vector.broadcast %reduce_sum3A_543 : i1 to vector<16xi1>
      %reduce_sum3A_545 = tpu.scan <sum>, %convert_element_type3A_542 masked %reduce_sum3A_544 : vector<16xi32>, vector<16xi1> -> vector<16xi32>
      %reduce_sum3A_546 = vector.extract %reduce_sum3A_545[15] : i32 from vector<16xi32>
      %eq3A_547 = arith.constant 1 : i32
      %eq3A_548 = vector.broadcast %eq3A_547 : i32 to vector<16xi32>
      %eq3A_549 = arith.cmpi eq, %select_n3A_504, %eq3A_548 : vector<16xi32>
      %convert_element_type3A_550 = arith.extui %eq3A_549 : vector<16xi1> to vector<16xi32>
      %reduce_sum3A_551 = arith.constant true
      %reduce_sum3A_552 = vector.broadcast %reduce_sum3A_551 : i1 to vector<16xi1>
      %reduce_sum3A_553 = tpu.scan <sum>, %convert_element_type3A_550 masked %reduce_sum3A_552 : vector<16xi32>, vector<16xi1> -> vector<16xi32>
      %reduce_sum3A_554 = vector.extract %reduce_sum3A_553[15] : i32 from vector<16xi32>
      %eq3A_555 = arith.constant 1 : i32
      %eq3A_556 = vector.broadcast %eq3A_555 : i32 to vector<16xi32>
      %eq3A_557 = arith.cmpi eq, %iota3A, %eq3A_556 : vector<16xi32>
      %add3A_558 = vector.broadcast %reduce_sum3A_546 : i32 to vector<16xi32>
      %add3A_559 = arith.addi %select_n3A_532, %add3A_558 : vector<16xi32>
      %select_n3A_560 = arith.select %eq3A_557, %add3A_559, %select_n3A_532 : vector<16xi1>, vector<16xi32>
      %eq3A_561 = arith.constant 1 : i32
      %eq3A_562 = vector.broadcast %eq3A_561 : i32 to vector<16xi32>
      %eq3A_563 = arith.cmpi eq, %iota3A, %eq3A_562 : vector<16xi32>
      %add3A_564 = vector.broadcast %reduce_sum3A_554 : i32 to vector<16xi32>
      %add3A_565 = arith.addi %select_n3A_538, %add3A_564 : vector<16xi32>
      %select_n3A_566 = arith.select %eq3A_563, %add3A_565, %select_n3A_538 : vector<16xi1>, vector<16xi32>
      %eq3A_567 = arith.constant 2 : i32
      %eq3A_568 = vector.broadcast %eq3A_567 : i32 to vector<16xi32>
      %eq3A_569 = arith.cmpi eq, %select_n3A_430, %eq3A_568 : vector<16xi32>
      %convert_element_type3A_570 = arith.extui %eq3A_569 : vector<16xi1> to vector<16xi32>
      %reduce_sum3A_571 = arith.constant true
      %reduce_sum3A_572 = vector.broadcast %reduce_sum3A_571 : i1 to vector<16xi1>
      %reduce_sum3A_573 = tpu.scan <sum>, %convert_element_type3A_570 masked %reduce_sum3A_572 : vector<16xi32>, vector<16xi1> -> vector<16xi32>
      %reduce_sum3A_574 = vector.extract %reduce_sum3A_573[15] : i32 from vector<16xi32>
      %eq3A_575 = arith.constant 2 : i32
      %eq3A_576 = vector.broadcast %eq3A_575 : i32 to vector<16xi32>
      %eq3A_577 = arith.cmpi eq, %select_n3A_504, %eq3A_576 : vector<16xi32>
      %convert_element_type3A_578 = arith.extui %eq3A_577 : vector<16xi1> to vector<16xi32>
      %reduce_sum3A_579 = arith.constant true
      %reduce_sum3A_580 = vector.broadcast %reduce_sum3A_579 : i1 to vector<16xi1>
      %reduce_sum3A_581 = tpu.scan <sum>, %convert_element_type3A_578 masked %reduce_sum3A_580 : vector<16xi32>, vector<16xi1> -> vector<16xi32>
      %reduce_sum3A_582 = vector.extract %reduce_sum3A_581[15] : i32 from vector<16xi32>
      %eq3A_583 = arith.constant 2 : i32
      %eq3A_584 = vector.broadcast %eq3A_583 : i32 to vector<16xi32>
      %eq3A_585 = arith.cmpi eq, %iota3A, %eq3A_584 : vector<16xi32>
      %add3A_586 = vector.broadcast %reduce_sum3A_574 : i32 to vector<16xi32>
      %add3A_587 = arith.addi %select_n3A_560, %add3A_586 : vector<16xi32>
      %select_n3A_588 = arith.select %eq3A_585, %add3A_587, %select_n3A_560 : vector<16xi1>, vector<16xi32>
      %eq3A_589 = arith.constant 2 : i32
      %eq3A_590 = vector.broadcast %eq3A_589 : i32 to vector<16xi32>
      %eq3A_591 = arith.cmpi eq, %iota3A, %eq3A_590 : vector<16xi32>
      %add3A_592 = vector.broadcast %reduce_sum3A_582 : i32 to vector<16xi32>
      %add3A_593 = arith.addi %select_n3A_566, %add3A_592 : vector<16xi32>
      %select_n3A_594 = arith.select %eq3A_591, %add3A_593, %select_n3A_566 : vector<16xi1>, vector<16xi32>
      %eq3A_595 = arith.constant 3 : i32
      %eq3A_596 = vector.broadcast %eq3A_595 : i32 to vector<16xi32>
      %eq3A_597 = arith.cmpi eq, %select_n3A_430, %eq3A_596 : vector<16xi32>
      %convert_element_type3A_598 = arith.extui %eq3A_597 : vector<16xi1> to vector<16xi32>
      %reduce_sum3A_599 = arith.constant true
      %reduce_sum3A_600 = vector.broadcast %reduce_sum3A_599 : i1 to vector<16xi1>
      %reduce_sum3A_601 = tpu.scan <sum>, %convert_element_type3A_598 masked %reduce_sum3A_600 : vector<16xi32>, vector<16xi1> -> vector<16xi32>
      %reduce_sum3A_602 = vector.extract %reduce_sum3A_601[15] : i32 from vector<16xi32>
      %eq3A_603 = arith.constant 3 : i32
      %eq3A_604 = vector.broadcast %eq3A_603 : i32 to vector<16xi32>
      %eq3A_605 = arith.cmpi eq, %select_n3A_504, %eq3A_604 : vector<16xi32>
      %convert_element_type3A_606 = arith.extui %eq3A_605 : vector<16xi1> to vector<16xi32>
      %reduce_sum3A_607 = arith.constant true
      %reduce_sum3A_608 = vector.broadcast %reduce_sum3A_607 : i1 to vector<16xi1>
      %reduce_sum3A_609 = tpu.scan <sum>, %convert_element_type3A_606 masked %reduce_sum3A_608 : vector<16xi32>, vector<16xi1> -> vector<16xi32>
      %reduce_sum3A_610 = vector.extract %reduce_sum3A_609[15] : i32 from vector<16xi32>
      %eq3A_611 = arith.constant 3 : i32
      %eq3A_612 = vector.broadcast %eq3A_611 : i32 to vector<16xi32>
      %eq3A_613 = arith.cmpi eq, %iota3A, %eq3A_612 : vector<16xi32>
      %add3A_614 = vector.broadcast %reduce_sum3A_602 : i32 to vector<16xi32>
      %add3A_615 = arith.addi %select_n3A_588, %add3A_614 : vector<16xi32>
      %select_n3A_616 = arith.select %eq3A_613, %add3A_615, %select_n3A_588 : vector<16xi1>, vector<16xi32>
      %eq3A_617 = arith.constant 3 : i32
      %eq3A_618 = vector.broadcast %eq3A_617 : i32 to vector<16xi32>
      %eq3A_619 = arith.cmpi eq, %iota3A, %eq3A_618 : vector<16xi32>
      %add3A_620 = vector.broadcast %reduce_sum3A_610 : i32 to vector<16xi32>
      %add3A_621 = arith.addi %select_n3A_594, %add3A_620 : vector<16xi32>
      %select_n3A_622 = arith.select %eq3A_619, %add3A_621, %select_n3A_594 : vector<16xi1>, vector<16xi32>
      %eq3A_623 = arith.constant 4 : i32
      %eq3A_624 = vector.broadcast %eq3A_623 : i32 to vector<16xi32>
      %eq3A_625 = arith.cmpi eq, %select_n3A_430, %eq3A_624 : vector<16xi32>
      %convert_element_type3A_626 = arith.extui %eq3A_625 : vector<16xi1> to vector<16xi32>
      %reduce_sum3A_627 = arith.constant true
      %reduce_sum3A_628 = vector.broadcast %reduce_sum3A_627 : i1 to vector<16xi1>
      %reduce_sum3A_629 = tpu.scan <sum>, %convert_element_type3A_626 masked %reduce_sum3A_628 : vector<16xi32>, vector<16xi1> -> vector<16xi32>
      %reduce_sum3A_630 = vector.extract %reduce_sum3A_629[15] : i32 from vector<16xi32>
      %eq3A_631 = arith.constant 4 : i32
      %eq3A_632 = vector.broadcast %eq3A_631 : i32 to vector<16xi32>
      %eq3A_633 = arith.cmpi eq, %select_n3A_504, %eq3A_632 : vector<16xi32>
      %convert_element_type3A_634 = arith.extui %eq3A_633 : vector<16xi1> to vector<16xi32>
      %reduce_sum3A_635 = arith.constant true
      %reduce_sum3A_636 = vector.broadcast %reduce_sum3A_635 : i1 to vector<16xi1>
      %reduce_sum3A_637 = tpu.scan <sum>, %convert_element_type3A_634 masked %reduce_sum3A_636 : vector<16xi32>, vector<16xi1> -> vector<16xi32>
      %reduce_sum3A_638 = vector.extract %reduce_sum3A_637[15] : i32 from vector<16xi32>
      %eq3A_639 = arith.constant 4 : i32
      %eq3A_640 = vector.broadcast %eq3A_639 : i32 to vector<16xi32>
      %eq3A_641 = arith.cmpi eq, %iota3A, %eq3A_640 : vector<16xi32>
      %add3A_642 = vector.broadcast %reduce_sum3A_630 : i32 to vector<16xi32>
      %add3A_643 = arith.addi %select_n3A_616, %add3A_642 : vector<16xi32>
      %select_n3A_644 = arith.select %eq3A_641, %add3A_643, %select_n3A_616 : vector<16xi1>, vector<16xi32>
      %eq3A_645 = arith.constant 4 : i32
      %eq3A_646 = vector.broadcast %eq3A_645 : i32 to vector<16xi32>
      %eq3A_647 = arith.cmpi eq, %iota3A, %eq3A_646 : vector<16xi32>
      %add3A_648 = vector.broadcast %reduce_sum3A_638 : i32 to vector<16xi32>
      %add3A_649 = arith.addi %select_n3A_622, %add3A_648 : vector<16xi32>
      %select_n3A_650 = arith.select %eq3A_647, %add3A_649, %select_n3A_622 : vector<16xi1>, vector<16xi32>
      %eq3A_651 = arith.constant 5 : i32
      %eq3A_652 = vector.broadcast %eq3A_651 : i32 to vector<16xi32>
      %eq3A_653 = arith.cmpi eq, %select_n3A_430, %eq3A_652 : vector<16xi32>
      %convert_element_type3A_654 = arith.extui %eq3A_653 : vector<16xi1> to vector<16xi32>
      %reduce_sum3A_655 = arith.constant true
      %reduce_sum3A_656 = vector.broadcast %reduce_sum3A_655 : i1 to vector<16xi1>
      %reduce_sum3A_657 = tpu.scan <sum>, %convert_element_type3A_654 masked %reduce_sum3A_656 : vector<16xi32>, vector<16xi1> -> vector<16xi32>
      %reduce_sum3A_658 = vector.extract %reduce_sum3A_657[15] : i32 from vector<16xi32>
      %eq3A_659 = arith.constant 5 : i32
      %eq3A_660 = vector.broadcast %eq3A_659 : i32 to vector<16xi32>
      %eq3A_661 = arith.cmpi eq, %select_n3A_504, %eq3A_660 : vector<16xi32>
      %convert_element_type3A_662 = arith.extui %eq3A_661 : vector<16xi1> to vector<16xi32>
      %reduce_sum3A_663 = arith.constant true
      %reduce_sum3A_664 = vector.broadcast %reduce_sum3A_663 : i1 to vector<16xi1>
      %reduce_sum3A_665 = tpu.scan <sum>, %convert_element_type3A_662 masked %reduce_sum3A_664 : vector<16xi32>, vector<16xi1> -> vector<16xi32>
      %reduce_sum3A_666 = vector.extract %reduce_sum3A_665[15] : i32 from vector<16xi32>
      %eq3A_667 = arith.constant 5 : i32
      %eq3A_668 = vector.broadcast %eq3A_667 : i32 to vector<16xi32>
      %eq3A_669 = arith.cmpi eq, %iota3A, %eq3A_668 : vector<16xi32>
      %add3A_670 = vector.broadcast %reduce_sum3A_658 : i32 to vector<16xi32>
      %add3A_671 = arith.addi %select_n3A_644, %add3A_670 : vector<16xi32>
      %select_n3A_672 = arith.select %eq3A_669, %add3A_671, %select_n3A_644 : vector<16xi1>, vector<16xi32>
      %eq3A_673 = arith.constant 5 : i32
      %eq3A_674 = vector.broadcast %eq3A_673 : i32 to vector<16xi32>
      %eq3A_675 = arith.cmpi eq, %iota3A, %eq3A_674 : vector<16xi32>
      %add3A_676 = vector.broadcast %reduce_sum3A_666 : i32 to vector<16xi32>
      %add3A_677 = arith.addi %select_n3A_650, %add3A_676 : vector<16xi32>
      %select_n3A_678 = arith.select %eq3A_675, %add3A_677, %select_n3A_650 : vector<16xi1>, vector<16xi32>
      %eq3A_679 = arith.constant 6 : i32
      %eq3A_680 = vector.broadcast %eq3A_679 : i32 to vector<16xi32>
      %eq3A_681 = arith.cmpi eq, %select_n3A_430, %eq3A_680 : vector<16xi32>
      %convert_element_type3A_682 = arith.extui %eq3A_681 : vector<16xi1> to vector<16xi32>
      %reduce_sum3A_683 = arith.constant true
      %reduce_sum3A_684 = vector.broadcast %reduce_sum3A_683 : i1 to vector<16xi1>
      %reduce_sum3A_685 = tpu.scan <sum>, %convert_element_type3A_682 masked %reduce_sum3A_684 : vector<16xi32>, vector<16xi1> -> vector<16xi32>
      %reduce_sum3A_686 = vector.extract %reduce_sum3A_685[15] : i32 from vector<16xi32>
      %eq3A_687 = arith.constant 6 : i32
      %eq3A_688 = vector.broadcast %eq3A_687 : i32 to vector<16xi32>
      %eq3A_689 = arith.cmpi eq, %select_n3A_504, %eq3A_688 : vector<16xi32>
      %convert_element_type3A_690 = arith.extui %eq3A_689 : vector<16xi1> to vector<16xi32>
      %reduce_sum3A_691 = arith.constant true
      %reduce_sum3A_692 = vector.broadcast %reduce_sum3A_691 : i1 to vector<16xi1>
      %reduce_sum3A_693 = tpu.scan <sum>, %convert_element_type3A_690 masked %reduce_sum3A_692 : vector<16xi32>, vector<16xi1> -> vector<16xi32>
      %reduce_sum3A_694 = vector.extract %reduce_sum3A_693[15] : i32 from vector<16xi32>
      %eq3A_695 = arith.constant 6 : i32
      %eq3A_696 = vector.broadcast %eq3A_695 : i32 to vector<16xi32>
      %eq3A_697 = arith.cmpi eq, %iota3A, %eq3A_696 : vector<16xi32>
      %add3A_698 = vector.broadcast %reduce_sum3A_686 : i32 to vector<16xi32>
      %add3A_699 = arith.addi %select_n3A_672, %add3A_698 : vector<16xi32>
      %select_n3A_700 = arith.select %eq3A_697, %add3A_699, %select_n3A_672 : vector<16xi1>, vector<16xi32>
      %eq3A_701 = arith.constant 6 : i32
      %eq3A_702 = vector.broadcast %eq3A_701 : i32 to vector<16xi32>
      %eq3A_703 = arith.cmpi eq, %iota3A, %eq3A_702 : vector<16xi32>
      %add3A_704 = vector.broadcast %reduce_sum3A_694 : i32 to vector<16xi32>
      %add3A_705 = arith.addi %select_n3A_678, %add3A_704 : vector<16xi32>
      %select_n3A_706 = arith.select %eq3A_703, %add3A_705, %select_n3A_678 : vector<16xi1>, vector<16xi32>
      %eq3A_707 = arith.constant 7 : i32
      %eq3A_708 = vector.broadcast %eq3A_707 : i32 to vector<16xi32>
      %eq3A_709 = arith.cmpi eq, %select_n3A_430, %eq3A_708 : vector<16xi32>
      %convert_element_type3A_710 = arith.extui %eq3A_709 : vector<16xi1> to vector<16xi32>
      %reduce_sum3A_711 = arith.constant true
      %reduce_sum3A_712 = vector.broadcast %reduce_sum3A_711 : i1 to vector<16xi1>
      %reduce_sum3A_713 = tpu.scan <sum>, %convert_element_type3A_710 masked %reduce_sum3A_712 : vector<16xi32>, vector<16xi1> -> vector<16xi32>
      %reduce_sum3A_714 = vector.extract %reduce_sum3A_713[15] : i32 from vector<16xi32>
      %eq3A_715 = arith.constant 7 : i32
      %eq3A_716 = vector.broadcast %eq3A_715 : i32 to vector<16xi32>
      %eq3A_717 = arith.cmpi eq, %select_n3A_504, %eq3A_716 : vector<16xi32>
      %convert_element_type3A_718 = arith.extui %eq3A_717 : vector<16xi1> to vector<16xi32>
      %reduce_sum3A_719 = arith.constant true
      %reduce_sum3A_720 = vector.broadcast %reduce_sum3A_719 : i1 to vector<16xi1>
      %reduce_sum3A_721 = tpu.scan <sum>, %convert_element_type3A_718 masked %reduce_sum3A_720 : vector<16xi32>, vector<16xi1> -> vector<16xi32>
      %reduce_sum3A_722 = vector.extract %reduce_sum3A_721[15] : i32 from vector<16xi32>
      %eq3A_723 = arith.constant 7 : i32
      %eq3A_724 = vector.broadcast %eq3A_723 : i32 to vector<16xi32>
      %eq3A_725 = arith.cmpi eq, %iota3A, %eq3A_724 : vector<16xi32>
      %add3A_726 = vector.broadcast %reduce_sum3A_714 : i32 to vector<16xi32>
      %add3A_727 = arith.addi %select_n3A_700, %add3A_726 : vector<16xi32>
      %select_n3A_728 = arith.select %eq3A_725, %add3A_727, %select_n3A_700 : vector<16xi1>, vector<16xi32>
      %eq3A_729 = arith.constant 7 : i32
      %eq3A_730 = vector.broadcast %eq3A_729 : i32 to vector<16xi32>
      %eq3A_731 = arith.cmpi eq, %iota3A, %eq3A_730 : vector<16xi32>
      %add3A_732 = vector.broadcast %reduce_sum3A_722 : i32 to vector<16xi32>
      %add3A_733 = arith.addi %select_n3A_706, %add3A_732 : vector<16xi32>
      %select_n3A_734 = arith.select %eq3A_731, %add3A_733, %select_n3A_706 : vector<16xi1>, vector<16xi32>
      scf.yield %select_n3A_728, %select_n3A_734 : vector<16xi32>, vector<16xi32>
    }
    %scan3A_6 = arith.constant 16 : i32
    %swap3A = arith.constant 0 : index
    %swap3A_7 = tpu.vector_load %arg12[%swap3A] {strides = array<i32>} : memref<16xi32, #tpu.memory_space<vmem>>, vector<16xi32>,
    tpu.vector_store %arg12[%swap3A], %scan3A_5#0 {strides = array<i32>} : memref<16xi32, #tpu.memory_space<vmem>>, vector<16xi32>,
    %swap3A_8 = arith.constant 0 : index
    %swap3A_9 = tpu.vector_load %arg13[%swap3A_8] {strides = array<i32>} : memref<16xi32, #tpu.memory_space<vmem>>, vector<16xi32>,
    tpu.vector_store %arg13[%swap3A_8], %scan3A_5#1 {strides = array<i32>} : memref<16xi32, #tpu.memory_space<vmem>>, vector<16xi32>,
    "tpu.region"() ({
      %run_scoped3A = tpu.sem_alloc : memref<!tpu.dma_semaphore, #tpu.memory_space<semaphore_mem>>
      %dma_start3A = arith.constant 0 : i32
      %dma_start3A_329 = tpu.memref_slice %arg5[%arg1, %dma_start3A] : memref<16x16xi32, #tpu.memory_space<hbm>> -> memref<1x16xi32, #tpu.memory_space<hbm>>
      %dma_start3A_330 = tpu.memref_squeeze %dma_start3A_329 : memref<1x16xi32, #tpu.memory_space<hbm>> -> memref<16xi32, #tpu.memory_space<hbm>>
      %dma_start3A_331 = arith.constant 0 : i32
      %dma_start3A_332 = tpu.memref_slice %arg5[%arg1, %dma_start3A_331] : memref<16x16xi32, #tpu.memory_space<hbm>> -> memref<1x16xi32, #tpu.memory_space<hbm>>
      %dma_start3A_333 = tpu.memref_squeeze %dma_start3A_332 : memref<1x16xi32, #tpu.memory_space<hbm>> -> memref<16xi32, #tpu.memory_space<hbm>>
      tpu.enqueue_dma source(%arg12 : memref<16xi32, #tpu.memory_space<vmem>>) target(%dma_start3A_333 : memref<16xi32, #tpu.memory_space<hbm>>) target_semaphore(%run_scoped3A : memref<!tpu.dma_semaphore, #tpu.memory_space<semaphore_mem>>)
      %dma_wait3A = arith.constant 0 : i32
      %dma_wait3A_334 = tpu.memref_slice %arg5[%arg1, %dma_wait3A] : memref<16x16xi32, #tpu.memory_space<hbm>> -> memref<1x16xi32, #tpu.memory_space<hbm>>
      %dma_wait3A_335 = tpu.memref_squeeze %dma_wait3A_334 : memref<1x16xi32, #tpu.memory_space<hbm>> -> memref<16xi32, #tpu.memory_space<hbm>>
      %dma_wait3A_336 = arith.constant 0 : i32
      %dma_wait3A_337 = tpu.memref_slice %arg5[%arg1, %dma_wait3A_336] : memref<16x16xi32, #tpu.memory_space<hbm>> -> memref<1x16xi32, #tpu.memory_space<hbm>>
      %dma_wait3A_338 = tpu.memref_squeeze %dma_wait3A_337 : memref<1x16xi32, #tpu.memory_space<hbm>> -> memref<16xi32, #tpu.memory_space<hbm>>
      tpu.wait_dma2 semaphore(%run_scoped3A : memref<!tpu.dma_semaphore, #tpu.memory_space<semaphore_mem>>) src(%arg12 : memref<16xi32, #tpu.memory_space<vmem>>) dst(%dma_wait3A_338 : memref<16xi32, #tpu.memory_space<hbm>>)
      tpu.yield
    }) : () -> ()
    "tpu.region"() ({
      %run_scoped3A = tpu.sem_alloc : memref<!tpu.dma_semaphore, #tpu.memory_space<semaphore_mem>>
      %dma_start3A = arith.constant 0 : i32
      %dma_start3A_329 = tpu.memref_slice %arg6[%arg1, %dma_start3A] : memref<16x16xi32, #tpu.memory_space<hbm>> -> memref<1x16xi32, #tpu.memory_space<hbm>>
      %dma_start3A_330 = tpu.memref_squeeze %dma_start3A_329 : memref<1x16xi32, #tpu.memory_space<hbm>> -> memref<16xi32, #tpu.memory_space<hbm>>
      %dma_start3A_331 = arith.constant 0 : i32
      %dma_start3A_332 = tpu.memref_slice %arg6[%arg1, %dma_start3A_331] : memref<16x16xi32, #tpu.memory_space<hbm>> -> memref<1x16xi32, #tpu.memory_space<hbm>>
      %dma_start3A_333 = tpu.memref_squeeze %dma_start3A_332 : memref<1x16xi32, #tpu.memory_space<hbm>> -> memref<16xi32, #tpu.memory_space<hbm>>
      tpu.enqueue_dma source(%arg13 : memref<16xi32, #tpu.memory_space<vmem>>) target(%dma_start3A_333 : memref<16xi32, #tpu.memory_space<hbm>>) target_semaphore(%run_scoped3A : memref<!tpu.dma_semaphore, #tpu.memory_space<semaphore_mem>>)
      %dma_wait3A = arith.constant 0 : i32
      %dma_wait3A_334 = tpu.memref_slice %arg6[%arg1, %dma_wait3A] : memref<16x16xi32, #tpu.memory_space<hbm>> -> memref<1x16xi32, #tpu.memory_space<hbm>>
      %dma_wait3A_335 = tpu.memref_squeeze %dma_wait3A_334 : memref<1x16xi32, #tpu.memory_space<hbm>> -> memref<16xi32, #tpu.memory_space<hbm>>
      %dma_wait3A_336 = arith.constant 0 : i32
      %dma_wait3A_337 = tpu.memref_slice %arg6[%arg1, %dma_wait3A_336] : memref<16x16xi32, #tpu.memory_space<hbm>> -> memref<1x16xi32, #tpu.memory_space<hbm>>
      %dma_wait3A_338 = tpu.memref_squeeze %dma_wait3A_337 : memref<1x16xi32, #tpu.memory_space<hbm>> -> memref<16xi32, #tpu.memory_space<hbm>>
      tpu.wait_dma2 semaphore(%run_scoped3A : memref<!tpu.dma_semaphore, #tpu.memory_space<semaphore_mem>>) src(%arg13 : memref<16xi32, #tpu.memory_space<vmem>>) dst(%dma_wait3A_338 : memref<16xi32, #tpu.memory_space<hbm>>)
      tpu.yield
    }) : () -> ()
    %barrier3A = arith.constant 0 : index
    tpu.barrier barrier_id(%barrier3A)
    "tpu.region"() ({
      %run_scoped3A = tpu.sem_alloc : memref<!tpu.dma_semaphore, #tpu.memory_space<semaphore_mem>>
      tpu.enqueue_dma source(%arg5 : memref<16x16xi32, #tpu.memory_space<hbm>>) target(%arg16 : memref<16x16xi32, #tpu.memory_space<vmem>>) target_semaphore(%run_scoped3A : memref<!tpu.dma_semaphore, #tpu.memory_space<semaphore_mem>>)
      tpu.wait_dma2 semaphore(%run_scoped3A : memref<!tpu.dma_semaphore, #tpu.memory_space<semaphore_mem>>) src(%arg5 : memref<16x16xi32, #tpu.memory_space<hbm>>) dst(%arg16 : memref<16x16xi32, #tpu.memory_space<vmem>>)
      tpu.yield
    }) : () -> ()
    "tpu.region"() ({
      %run_scoped3A = tpu.sem_alloc : memref<!tpu.dma_semaphore, #tpu.memory_space<semaphore_mem>>
      tpu.enqueue_dma source(%arg6 : memref<16x16xi32, #tpu.memory_space<hbm>>) target(%arg17 : memref<16x16xi32, #tpu.memory_space<vmem>>) target_semaphore(%run_scoped3A : memref<!tpu.dma_semaphore, #tpu.memory_space<semaphore_mem>>)
      tpu.wait_dma2 semaphore(%run_scoped3A : memref<!tpu.dma_semaphore, #tpu.memory_space<semaphore_mem>>) src(%arg6 : memref<16x16xi32, #tpu.memory_space<hbm>>) dst(%arg17 : memref<16x16xi32, #tpu.memory_space<vmem>>)
      tpu.yield
    }) : () -> ()
    %broadcast_in_dim3A_10 = arith.constant 0 : i32
    %broadcast_in_dim3A_11 = vector.broadcast %broadcast_in_dim3A_10 : i32 to vector<16xi32>
    %broadcast_in_dim3A_12 = arith.constant 0 : i32
    %broadcast_in_dim3A_13 = vector.broadcast %broadcast_in_dim3A_12 : i32 to vector<16xi32>
    %broadcast_in_dim3A_14 = arith.constant 0 : i32
    %broadcast_in_dim3A_15 = vector.broadcast %broadcast_in_dim3A_14 : i32 to vector<16xi32>
    %broadcast_in_dim3A_16 = arith.constant 0 : i32
    %broadcast_in_dim3A_17 = vector.broadcast %broadcast_in_dim3A_16 : i32 to vector<16xi32>
    %get3A = arith.constant 0 : i32
    %get3A_18 = arith.index_cast %get3A : i32 to index
    %get3A_19 = arith.constant 0 : index
    %get3A_20 = tpu.vector_load %arg16[%get3A_18, %get3A_19] {strides = array<i32>} : memref<16x16xi32, #tpu.memory_space<vmem>>, vector<16xi32>,
    %get3A_21 = arith.constant 0 : i32
    %get3A_22 = arith.index_cast %get3A_21 : i32 to index
    %get3A_23 = arith.constant 0 : index
    %get3A_24 = tpu.vector_load %arg17[%get3A_22, %get3A_23] {strides = array<i32>} : memref<16x16xi32, #tpu.memory_space<vmem>>, vector<16xi32>,
    %broadcast_in_dim3A_25 = arith.constant 0 : i32
    %broadcast_in_dim3A_26 = vector.broadcast %broadcast_in_dim3A_25 : i32 to vector<16xi32>
    %lt3A = vector.broadcast %arg1 : i32 to vector<16xi32>
    %lt3A_27 = arith.cmpi slt, %broadcast_in_dim3A_26, %lt3A : vector<16xi32>
    %convert_element_type3A = arith.extui %lt3A_27 : vector<16xi1> to vector<16xi32>
    %mul3A_28 = arith.muli %get3A_20, %convert_element_type3A : vector<16xi32>
    %add3A = arith.addi %broadcast_in_dim3A_11, %mul3A_28 : vector<16xi32>
    %mul3A_29 = arith.muli %get3A_24, %convert_element_type3A : vector<16xi32>
    %add3A_30 = arith.addi %broadcast_in_dim3A_13, %mul3A_29 : vector<16xi32>
    %add3A_31 = arith.addi %broadcast_in_dim3A_15, %get3A_20 : vector<16xi32>
    %add3A_32 = arith.addi %broadcast_in_dim3A_17, %get3A_24 : vector<16xi32>
    %get3A_33 = arith.constant 1 : i32
    %get3A_34 = arith.index_cast %get3A_33 : i32 to index
    %get3A_35 = arith.constant 0 : index
    %get3A_36 = tpu.vector_load %arg16[%get3A_34, %get3A_35] {strides = array<i32>} : memref<16x16xi32, #tpu.memory_space<vmem>>, vector<16xi32>,
    %get3A_37 = arith.constant 1 : i32
    %get3A_38 = arith.index_cast %get3A_37 : i32 to index
    %get3A_39 = arith.constant 0 : index
    %get3A_40 = tpu.vector_load %arg17[%get3A_38, %get3A_39] {strides = array<i32>} : memref<16x16xi32, #tpu.memory_space<vmem>>, vector<16xi32>,
    %broadcast_in_dim3A_41 = arith.constant 1 : i32
    %broadcast_in_dim3A_42 = vector.broadcast %broadcast_in_dim3A_41 : i32 to vector<16xi32>
    %lt3A_43 = vector.broadcast %arg1 : i32 to vector<16xi32>
    %lt3A_44 = arith.cmpi slt, %broadcast_in_dim3A_42, %lt3A_43 : vector<16xi32>
    %convert_element_type3A_45 = arith.extui %lt3A_44 : vector<16xi1> to vector<16xi32>
    %mul3A_46 = arith.muli %get3A_36, %convert_element_type3A_45 : vector<16xi32>
    %add3A_47 = arith.addi %add3A, %mul3A_46 : vector<16xi32>
    %mul3A_48 = arith.muli %get3A_40, %convert_element_type3A_45 : vector<16xi32>
    %add3A_49 = arith.addi %add3A_30, %mul3A_48 : vector<16xi32>
    %add3A_50 = arith.addi %add3A_31, %get3A_36 : vector<16xi32>
    %add3A_51 = arith.addi %add3A_32, %get3A_40 : vector<16xi32>
    %get3A_52 = arith.constant 2 : i32
    %get3A_53 = arith.index_cast %get3A_52 : i32 to index
    %get3A_54 = arith.constant 0 : index
    %get3A_55 = tpu.vector_load %arg16[%get3A_53, %get3A_54] {strides = array<i32>} : memref<16x16xi32, #tpu.memory_space<vmem>>, vector<16xi32>,
    %get3A_56 = arith.constant 2 : i32
    %get3A_57 = arith.index_cast %get3A_56 : i32 to index
    %get3A_58 = arith.constant 0 : index
    %get3A_59 = tpu.vector_load %arg17[%get3A_57, %get3A_58] {strides = array<i32>} : memref<16x16xi32, #tpu.memory_space<vmem>>, vector<16xi32>,
    %broadcast_in_dim3A_60 = arith.constant 2 : i32
    %broadcast_in_dim3A_61 = vector.broadcast %broadcast_in_dim3A_60 : i32 to vector<16xi32>
    %lt3A_62 = vector.broadcast %arg1 : i32 to vector<16xi32>
    %lt3A_63 = arith.cmpi slt, %broadcast_in_dim3A_61, %lt3A_62 : vector<16xi32>
    %convert_element_type3A_64 = arith.extui %lt3A_63 : vector<16xi1> to vector<16xi32>
    %mul3A_65 = arith.muli %get3A_55, %convert_element_type3A_64 : vector<16xi32>
    %add3A_66 = arith.addi %add3A_47, %mul3A_65 : vector<16xi32>
    %mul3A_67 = arith.muli %get3A_59, %convert_element_type3A_64 : vector<16xi32>
    %add3A_68 = arith.addi %add3A_49, %mul3A_67 : vector<16xi32>
    %add3A_69 = arith.addi %add3A_50, %get3A_55 : vector<16xi32>
    %add3A_70 = arith.addi %add3A_51, %get3A_59 : vector<16xi32>
    %get3A_71 = arith.constant 3 : i32
    %get3A_72 = arith.index_cast %get3A_71 : i32 to index
    %get3A_73 = arith.constant 0 : index
    %get3A_74 = tpu.vector_load %arg16[%get3A_72, %get3A_73] {strides = array<i32>} : memref<16x16xi32, #tpu.memory_space<vmem>>, vector<16xi32>,
    %get3A_75 = arith.constant 3 : i32
    %get3A_76 = arith.index_cast %get3A_75 : i32 to index
    %get3A_77 = arith.constant 0 : index
    %get3A_78 = tpu.vector_load %arg17[%get3A_76, %get3A_77] {strides = array<i32>} : memref<16x16xi32, #tpu.memory_space<vmem>>, vector<16xi32>,
    %broadcast_in_dim3A_79 = arith.constant 3 : i32
    %broadcast_in_dim3A_80 = vector.broadcast %broadcast_in_dim3A_79 : i32 to vector<16xi32>
    %lt3A_81 = vector.broadcast %arg1 : i32 to vector<16xi32>
    %lt3A_82 = arith.cmpi slt, %broadcast_in_dim3A_80, %lt3A_81 : vector<16xi32>
    %convert_element_type3A_83 = arith.extui %lt3A_82 : vector<16xi1> to vector<16xi32>
    %mul3A_84 = arith.muli %get3A_74, %convert_element_type3A_83 : vector<16xi32>
    %add3A_85 = arith.addi %add3A_66, %mul3A_84 : vector<16xi32>
    %mul3A_86 = arith.muli %get3A_78, %convert_element_type3A_83 : vector<16xi32>
    %add3A_87 = arith.addi %add3A_68, %mul3A_86 : vector<16xi32>
    %add3A_88 = arith.addi %add3A_69, %get3A_74 : vector<16xi32>
    %add3A_89 = arith.addi %add3A_70, %get3A_78 : vector<16xi32>
    %get3A_90 = arith.constant 4 : i32
    %get3A_91 = arith.index_cast %get3A_90 : i32 to index
    %get3A_92 = arith.constant 0 : index
    %get3A_93 = tpu.vector_load %arg16[%get3A_91, %get3A_92] {strides = array<i32>} : memref<16x16xi32, #tpu.memory_space<vmem>>, vector<16xi32>,
    %get3A_94 = arith.constant 4 : i32
    %get3A_95 = arith.index_cast %get3A_94 : i32 to index
    %get3A_96 = arith.constant 0 : index
    %get3A_97 = tpu.vector_load %arg17[%get3A_95, %get3A_96] {strides = array<i32>} : memref<16x16xi32, #tpu.memory_space<vmem>>, vector<16xi32>,
    %broadcast_in_dim3A_98 = arith.constant 4 : i32
    %broadcast_in_dim3A_99 = vector.broadcast %broadcast_in_dim3A_98 : i32 to vector<16xi32>
    %lt3A_100 = vector.broadcast %arg1 : i32 to vector<16xi32>
    %lt3A_101 = arith.cmpi slt, %broadcast_in_dim3A_99, %lt3A_100 : vector<16xi32>
    %convert_element_type3A_102 = arith.extui %lt3A_101 : vector<16xi1> to vector<16xi32>
    %mul3A_103 = arith.muli %get3A_93, %convert_element_type3A_102 : vector<16xi32>
    %add3A_104 = arith.addi %add3A_85, %mul3A_103 : vector<16xi32>
    %mul3A_105 = arith.muli %get3A_97, %convert_element_type3A_102 : vector<16xi32>
    %add3A_106 = arith.addi %add3A_87, %mul3A_105 : vector<16xi32>
    %add3A_107 = arith.addi %add3A_88, %get3A_93 : vector<16xi32>
    %add3A_108 = arith.addi %add3A_89, %get3A_97 : vector<16xi32>
    %get3A_109 = arith.constant 5 : i32
    %get3A_110 = arith.index_cast %get3A_109 : i32 to index
    %get3A_111 = arith.constant 0 : index
    %get3A_112 = tpu.vector_load %arg16[%get3A_110, %get3A_111] {strides = array<i32>} : memref<16x16xi32, #tpu.memory_space<vmem>>, vector<16xi32>,
    %get3A_113 = arith.constant 5 : i32
    %get3A_114 = arith.index_cast %get3A_113 : i32 to index
    %get3A_115 = arith.constant 0 : index
    %get3A_116 = tpu.vector_load %arg17[%get3A_114, %get3A_115] {strides = array<i32>} : memref<16x16xi32, #tpu.memory_space<vmem>>, vector<16xi32>,
    %broadcast_in_dim3A_117 = arith.constant 5 : i32
    %broadcast_in_dim3A_118 = vector.broadcast %broadcast_in_dim3A_117 : i32 to vector<16xi32>
    %lt3A_119 = vector.broadcast %arg1 : i32 to vector<16xi32>
    %lt3A_120 = arith.cmpi slt, %broadcast_in_dim3A_118, %lt3A_119 : vector<16xi32>
    %convert_element_type3A_121 = arith.extui %lt3A_120 : vector<16xi1> to vector<16xi32>
    %mul3A_122 = arith.muli %get3A_112, %convert_element_type3A_121 : vector<16xi32>
    %add3A_123 = arith.addi %add3A_104, %mul3A_122 : vector<16xi32>
    %mul3A_124 = arith.muli %get3A_116, %convert_element_type3A_121 : vector<16xi32>
    %add3A_125 = arith.addi %add3A_106, %mul3A_124 : vector<16xi32>
    %add3A_126 = arith.addi %add3A_107, %get3A_112 : vector<16xi32>
    %add3A_127 = arith.addi %add3A_108, %get3A_116 : vector<16xi32>
    %get3A_128 = arith.constant 6 : i32
    %get3A_129 = arith.index_cast %get3A_128 : i32 to index
    %get3A_130 = arith.constant 0 : index
    %get3A_131 = tpu.vector_load %arg16[%get3A_129, %get3A_130] {strides = array<i32>} : memref<16x16xi32, #tpu.memory_space<vmem>>, vector<16xi32>,
    %get3A_132 = arith.constant 6 : i32
    %get3A_133 = arith.index_cast %get3A_132 : i32 to index
    %get3A_134 = arith.constant 0 : index
    %get3A_135 = tpu.vector_load %arg17[%get3A_133, %get3A_134] {strides = array<i32>} : memref<16x16xi32, #tpu.memory_space<vmem>>, vector<16xi32>,
    %broadcast_in_dim3A_136 = arith.constant 6 : i32
    %broadcast_in_dim3A_137 = vector.broadcast %broadcast_in_dim3A_136 : i32 to vector<16xi32>
    %lt3A_138 = vector.broadcast %arg1 : i32 to vector<16xi32>
    %lt3A_139 = arith.cmpi slt, %broadcast_in_dim3A_137, %lt3A_138 : vector<16xi32>
    %convert_element_type3A_140 = arith.extui %lt3A_139 : vector<16xi1> to vector<16xi32>
    %mul3A_141 = arith.muli %get3A_131, %convert_element_type3A_140 : vector<16xi32>
    %add3A_142 = arith.addi %add3A_123, %mul3A_141 : vector<16xi32>
    %mul3A_143 = arith.muli %get3A_135, %convert_element_type3A_140 : vector<16xi32>
    %add3A_144 = arith.addi %add3A_125, %mul3A_143 : vector<16xi32>
    %add3A_145 = arith.addi %add3A_126, %get3A_131 : vector<16xi32>
    %add3A_146 = arith.addi %add3A_127, %get3A_135 : vector<16xi32>
    %get3A_147 = arith.constant 7 : i32
    %get3A_148 = arith.index_cast %get3A_147 : i32 to index
    %get3A_149 = arith.constant 0 : index
    %get3A_150 = tpu.vector_load %arg16[%get3A_148, %get3A_149] {strides = array<i32>} : memref<16x16xi32, #tpu.memory_space<vmem>>, vector<16xi32>,
    %get3A_151 = arith.constant 7 : i32
    %get3A_152 = arith.index_cast %get3A_151 : i32 to index
    %get3A_153 = arith.constant 0 : index
    %get3A_154 = tpu.vector_load %arg17[%get3A_152, %get3A_153] {strides = array<i32>} : memref<16x16xi32, #tpu.memory_space<vmem>>, vector<16xi32>,
    %broadcast_in_dim3A_155 = arith.constant 7 : i32
    %broadcast_in_dim3A_156 = vector.broadcast %broadcast_in_dim3A_155 : i32 to vector<16xi32>
    %lt3A_157 = vector.broadcast %arg1 : i32 to vector<16xi32>
    %lt3A_158 = arith.cmpi slt, %broadcast_in_dim3A_156, %lt3A_157 : vector<16xi32>
    %convert_element_type3A_159 = arith.extui %lt3A_158 : vector<16xi1> to vector<16xi32>
    %mul3A_160 = arith.muli %get3A_150, %convert_element_type3A_159 : vector<16xi32>
    %add3A_161 = arith.addi %add3A_142, %mul3A_160 : vector<16xi32>
    %mul3A_162 = arith.muli %get3A_154, %convert_element_type3A_159 : vector<16xi32>
    %add3A_163 = arith.addi %add3A_144, %mul3A_162 : vector<16xi32>
    %add3A_164 = arith.addi %add3A_145, %get3A_150 : vector<16xi32>
    %add3A_165 = arith.addi %add3A_146, %get3A_154 : vector<16xi32>
    %get3A_166 = arith.constant 8 : i32
    %get3A_167 = arith.index_cast %get3A_166 : i32 to index
    %get3A_168 = arith.constant 0 : index
    %get3A_169 = tpu.vector_load %arg16[%get3A_167, %get3A_168] {strides = array<i32>} : memref<16x16xi32, #tpu.memory_space<vmem>>, vector<16xi32>,
    %get3A_170 = arith.constant 8 : i32
    %get3A_171 = arith.index_cast %get3A_170 : i32 to index
    %get3A_172 = arith.constant 0 : index
    %get3A_173 = tpu.vector_load %arg17[%get3A_171, %get3A_172] {strides = array<i32>} : memref<16x16xi32, #tpu.memory_space<vmem>>, vector<16xi32>,
    %broadcast_in_dim3A_174 = arith.constant 8 : i32
    %broadcast_in_dim3A_175 = vector.broadcast %broadcast_in_dim3A_174 : i32 to vector<16xi32>
    %lt3A_176 = vector.broadcast %arg1 : i32 to vector<16xi32>
    %lt3A_177 = arith.cmpi slt, %broadcast_in_dim3A_175, %lt3A_176 : vector<16xi32>
    %convert_element_type3A_178 = arith.extui %lt3A_177 : vector<16xi1> to vector<16xi32>
    %mul3A_179 = arith.muli %get3A_169, %convert_element_type3A_178 : vector<16xi32>
    %add3A_180 = arith.addi %add3A_161, %mul3A_179 : vector<16xi32>
    %mul3A_181 = arith.muli %get3A_173, %convert_element_type3A_178 : vector<16xi32>
    %add3A_182 = arith.addi %add3A_163, %mul3A_181 : vector<16xi32>
    %add3A_183 = arith.addi %add3A_164, %get3A_169 : vector<16xi32>
    %add3A_184 = arith.addi %add3A_165, %get3A_173 : vector<16xi32>
    %get3A_185 = arith.constant 9 : i32
    %get3A_186 = arith.index_cast %get3A_185 : i32 to index
    %get3A_187 = arith.constant 0 : index
    %get3A_188 = tpu.vector_load %arg16[%get3A_186, %get3A_187] {strides = array<i32>} : memref<16x16xi32, #tpu.memory_space<vmem>>, vector<16xi32>,
    %get3A_189 = arith.constant 9 : i32
    %get3A_190 = arith.index_cast %get3A_189 : i32 to index
    %get3A_191 = arith.constant 0 : index
    %get3A_192 = tpu.vector_load %arg17[%get3A_190, %get3A_191] {strides = array<i32>} : memref<16x16xi32, #tpu.memory_space<vmem>>, vector<16xi32>,
    %broadcast_in_dim3A_193 = arith.constant 9 : i32
    %broadcast_in_dim3A_194 = vector.broadcast %broadcast_in_dim3A_193 : i32 to vector<16xi32>
    %lt3A_195 = vector.broadcast %arg1 : i32 to vector<16xi32>
    %lt3A_196 = arith.cmpi slt, %broadcast_in_dim3A_194, %lt3A_195 : vector<16xi32>
    %convert_element_type3A_197 = arith.extui %lt3A_196 : vector<16xi1> to vector<16xi32>
    %mul3A_198 = arith.muli %get3A_188, %convert_element_type3A_197 : vector<16xi32>
    %add3A_199 = arith.addi %add3A_180, %mul3A_198 : vector<16xi32>
    %mul3A_200 = arith.muli %get3A_192, %convert_element_type3A_197 : vector<16xi32>
    %add3A_201 = arith.addi %add3A_182, %mul3A_200 : vector<16xi32>
    %add3A_202 = arith.addi %add3A_183, %get3A_188 : vector<16xi32>
    %add3A_203 = arith.addi %add3A_184, %get3A_192 : vector<16xi32>
    %get3A_204 = arith.constant 10 : i32
    %get3A_205 = arith.index_cast %get3A_204 : i32 to index
    %get3A_206 = arith.constant 0 : index
    %get3A_207 = tpu.vector_load %arg16[%get3A_205, %get3A_206] {strides = array<i32>} : memref<16x16xi32, #tpu.memory_space<vmem>>, vector<16xi32>,
    %get3A_208 = arith.constant 10 : i32
    %get3A_209 = arith.index_cast %get3A_208 : i32 to index
    %get3A_210 = arith.constant 0 : index
    %get3A_211 = tpu.vector_load %arg17[%get3A_209, %get3A_210] {strides = array<i32>} : memref<16x16xi32, #tpu.memory_space<vmem>>, vector<16xi32>,
    %broadcast_in_dim3A_212 = arith.constant 10 : i32
    %broadcast_in_dim3A_213 = vector.broadcast %broadcast_in_dim3A_212 : i32 to vector<16xi32>
    %lt3A_214 = vector.broadcast %arg1 : i32 to vector<16xi32>
    %lt3A_215 = arith.cmpi slt, %broadcast_in_dim3A_213, %lt3A_214 : vector<16xi32>
    %convert_element_type3A_216 = arith.extui %lt3A_215 : vector<16xi1> to vector<16xi32>
    %mul3A_217 = arith.muli %get3A_207, %convert_element_type3A_216 : vector<16xi32>
    %add3A_218 = arith.addi %add3A_199, %mul3A_217 : vector<16xi32>
    %mul3A_219 = arith.muli %get3A_211, %convert_element_type3A_216 : vector<16xi32>
    %add3A_220 = arith.addi %add3A_201, %mul3A_219 : vector<16xi32>
    %add3A_221 = arith.addi %add3A_202, %get3A_207 : vector<16xi32>
    %add3A_222 = arith.addi %add3A_203, %get3A_211 : vector<16xi32>
    %get3A_223 = arith.constant 11 : i32
    %get3A_224 = arith.index_cast %get3A_223 : i32 to index
    %get3A_225 = arith.constant 0 : index
    %get3A_226 = tpu.vector_load %arg16[%get3A_224, %get3A_225] {strides = array<i32>} : memref<16x16xi32, #tpu.memory_space<vmem>>, vector<16xi32>,
    %get3A_227 = arith.constant 11 : i32
    %get3A_228 = arith.index_cast %get3A_227 : i32 to index
    %get3A_229 = arith.constant 0 : index
    %get3A_230 = tpu.vector_load %arg17[%get3A_228, %get3A_229] {strides = array<i32>} : memref<16x16xi32, #tpu.memory_space<vmem>>, vector<16xi32>,
    %broadcast_in_dim3A_231 = arith.constant 11 : i32
    %broadcast_in_dim3A_232 = vector.broadcast %broadcast_in_dim3A_231 : i32 to vector<16xi32>
    %lt3A_233 = vector.broadcast %arg1 : i32 to vector<16xi32>
    %lt3A_234 = arith.cmpi slt, %broadcast_in_dim3A_232, %lt3A_233 : vector<16xi32>
    %convert_element_type3A_235 = arith.extui %lt3A_234 : vector<16xi1> to vector<16xi32>
    %mul3A_236 = arith.muli %get3A_226, %convert_element_type3A_235 : vector<16xi32>
    %add3A_237 = arith.addi %add3A_218, %mul3A_236 : vector<16xi32>
    %mul3A_238 = arith.muli %get3A_230, %convert_element_type3A_235 : vector<16xi32>
    %add3A_239 = arith.addi %add3A_220, %mul3A_238 : vector<16xi32>
    %add3A_240 = arith.addi %add3A_221, %get3A_226 : vector<16xi32>
    %add3A_241 = arith.addi %add3A_222, %get3A_230 : vector<16xi32>
    %get3A_242 = arith.constant 12 : i32
    %get3A_243 = arith.index_cast %get3A_242 : i32 to index
    %get3A_244 = arith.constant 0 : index
    %get3A_245 = tpu.vector_load %arg16[%get3A_243, %get3A_244] {strides = array<i32>} : memref<16x16xi32, #tpu.memory_space<vmem>>, vector<16xi32>,
    %get3A_246 = arith.constant 12 : i32
    %get3A_247 = arith.index_cast %get3A_246 : i32 to index
    %get3A_248 = arith.constant 0 : index
    %get3A_249 = tpu.vector_load %arg17[%get3A_247, %get3A_248] {strides = array<i32>} : memref<16x16xi32, #tpu.memory_space<vmem>>, vector<16xi32>,
    %broadcast_in_dim3A_250 = arith.constant 12 : i32
    %broadcast_in_dim3A_251 = vector.broadcast %broadcast_in_dim3A_250 : i32 to vector<16xi32>
    %lt3A_252 = vector.broadcast %arg1 : i32 to vector<16xi32>
    %lt3A_253 = arith.cmpi slt, %broadcast_in_dim3A_251, %lt3A_252 : vector<16xi32>
    %convert_element_type3A_254 = arith.extui %lt3A_253 : vector<16xi1> to vector<16xi32>
    %mul3A_255 = arith.muli %get3A_245, %convert_element_type3A_254 : vector<16xi32>
    %add3A_256 = arith.addi %add3A_237, %mul3A_255 : vector<16xi32>
    %mul3A_257 = arith.muli %get3A_249, %convert_element_type3A_254 : vector<16xi32>
    %add3A_258 = arith.addi %add3A_239, %mul3A_257 : vector<16xi32>
    %add3A_259 = arith.addi %add3A_240, %get3A_245 : vector<16xi32>
    %add3A_260 = arith.addi %add3A_241, %get3A_249 : vector<16xi32>
    %get3A_261 = arith.constant 13 : i32
    %get3A_262 = arith.index_cast %get3A_261 : i32 to index
    %get3A_263 = arith.constant 0 : index
    %get3A_264 = tpu.vector_load %arg16[%get3A_262, %get3A_263] {strides = array<i32>} : memref<16x16xi32, #tpu.memory_space<vmem>>, vector<16xi32>,
    %get3A_265 = arith.constant 13 : i32
    %get3A_266 = arith.index_cast %get3A_265 : i32 to index
    %get3A_267 = arith.constant 0 : index
    %get3A_268 = tpu.vector_load %arg17[%get3A_266, %get3A_267] {strides = array<i32>} : memref<16x16xi32, #tpu.memory_space<vmem>>, vector<16xi32>,
    %broadcast_in_dim3A_269 = arith.constant 13 : i32
    %broadcast_in_dim3A_270 = vector.broadcast %broadcast_in_dim3A_269 : i32 to vector<16xi32>
    %lt3A_271 = vector.broadcast %arg1 : i32 to vector<16xi32>
    %lt3A_272 = arith.cmpi slt, %broadcast_in_dim3A_270, %lt3A_271 : vector<16xi32>
    %convert_element_type3A_273 = arith.extui %lt3A_272 : vector<16xi1> to vector<16xi32>
    %mul3A_274 = arith.muli %get3A_264, %convert_element_type3A_273 : vector<16xi32>
    %add3A_275 = arith.addi %add3A_256, %mul3A_274 : vector<16xi32>
    %mul3A_276 = arith.muli %get3A_268, %convert_element_type3A_273 : vector<16xi32>
    %add3A_277 = arith.addi %add3A_258, %mul3A_276 : vector<16xi32>
    %add3A_278 = arith.addi %add3A_259, %get3A_264 : vector<16xi32>
    %add3A_279 = arith.addi %add3A_260, %get3A_268 : vector<16xi32>
    %get3A_280 = arith.constant 14 : i32
    %get3A_281 = arith.index_cast %get3A_280 : i32 to index
    %get3A_282 = arith.constant 0 : index
    %get3A_283 = tpu.vector_load %arg16[%get3A_281, %get3A_282] {strides = array<i32>} : memref<16x16xi32, #tpu.memory_space<vmem>>, vector<16xi32>,
    %get3A_284 = arith.constant 14 : i32
    %get3A_285 = arith.index_cast %get3A_284 : i32 to index
    %get3A_286 = arith.constant 0 : index
    %get3A_287 = tpu.vector_load %arg17[%get3A_285, %get3A_286] {strides = array<i32>} : memref<16x16xi32, #tpu.memory_space<vmem>>, vector<16xi32>,
    %broadcast_in_dim3A_288 = arith.constant 14 : i32
    %broadcast_in_dim3A_289 = vector.broadcast %broadcast_in_dim3A_288 : i32 to vector<16xi32>
    %lt3A_290 = vector.broadcast %arg1 : i32 to vector<16xi32>
    %lt3A_291 = arith.cmpi slt, %broadcast_in_dim3A_289, %lt3A_290 : vector<16xi32>
    %convert_element_type3A_292 = arith.extui %lt3A_291 : vector<16xi1> to vector<16xi32>
    %mul3A_293 = arith.muli %get3A_283, %convert_element_type3A_292 : vector<16xi32>
    %add3A_294 = arith.addi %add3A_275, %mul3A_293 : vector<16xi32>
    %mul3A_295 = arith.muli %get3A_287, %convert_element_type3A_292 : vector<16xi32>
    %add3A_296 = arith.addi %add3A_277, %mul3A_295 : vector<16xi32>
    %add3A_297 = arith.addi %add3A_278, %get3A_283 : vector<16xi32>
    %add3A_298 = arith.addi %add3A_279, %get3A_287 : vector<16xi32>
    %get3A_299 = arith.constant 15 : i32
    %get3A_300 = arith.index_cast %get3A_299 : i32 to index
    %get3A_301 = arith.constant 0 : index
    %get3A_302 = tpu.vector_load %arg16[%get3A_300, %get3A_301] {strides = array<i32>} : memref<16x16xi32, #tpu.memory_space<vmem>>, vector<16xi32>,
    %get3A_303 = arith.constant 15 : i32
    %get3A_304 = arith.index_cast %get3A_303 : i32 to index
    %get3A_305 = arith.constant 0 : index
    %get3A_306 = tpu.vector_load %arg17[%get3A_304, %get3A_305] {strides = array<i32>} : memref<16x16xi32, #tpu.memory_space<vmem>>, vector<16xi32>,
    %broadcast_in_dim3A_307 = arith.constant 15 : i32
    %broadcast_in_dim3A_308 = vector.broadcast %broadcast_in_dim3A_307 : i32 to vector<16xi32>
    %lt3A_309 = vector.broadcast %arg1 : i32 to vector<16xi32>
    %lt3A_310 = arith.cmpi slt, %broadcast_in_dim3A_308, %lt3A_309 : vector<16xi32>
    %convert_element_type3A_311 = arith.extui %lt3A_310 : vector<16xi1> to vector<16xi32>
    %mul3A_312 = arith.muli %get3A_302, %convert_element_type3A_311 : vector<16xi32>
    %add3A_313 = arith.addi %add3A_294, %mul3A_312 : vector<16xi32>
    %mul3A_314 = arith.muli %get3A_306, %convert_element_type3A_311 : vector<16xi32>
    %add3A_315 = arith.addi %add3A_296, %mul3A_314 : vector<16xi32>
    %add3A_316 = arith.addi %add3A_297, %get3A_302 : vector<16xi32>
    %add3A_317 = arith.addi %add3A_298, %get3A_306 : vector<16xi32>
    %add3A_318 = arith.addi %add3A_315, %add3A_316 : vector<16xi32>
    %scan3A_319 = arith.constant 0 : i32
    %scan3A_320 = arith.constant 16 : i32
    %scan3A_321 = arith.addi %scan3A_319, %scan3A_320 : i32
    %scan3A_322 = arith.constant 1 : i32
    %scan3A_323:2 = scf.for %scan3A_329 = %scan3A_319 to %scan3A_321 step %scan3A_322 iter_args(%scan3A_330 = %add3A_313, %scan3A_331 = %add3A_318) -> (vector<16xi32>, vector<16xi32>)  : i32 {
      %mul3A_332 = arith.constant 16 : i32
      %mul3A_333 = arith.muli %scan3A_329, %mul3A_332 : i32
      %get3A_334 = arith.index_cast %mul3A_333 : i32 to index
      %get3A_335 = tpu.vector_load %arg8[%get3A_334] {strides = array<i32>} : memref<256xi32, #tpu.memory_space<vmem>>, vector<16xi32>,
      %get3A_336 = arith.index_cast %mul3A_333 : i32 to index
      %get3A_337 = tpu.vector_load %arg9[%get3A_336] {strides = array<i32>} : memref<256xi32, #tpu.memory_space<vmem>>, vector<16xi32>,
      %get3A_338 = arith.index_cast %mul3A_333 : i32 to index
      %get3A_339 = tpu.vector_load %arg10[%get3A_338] {strides = array<i32>} : memref<256xf32, #tpu.memory_space<vmem>>, vector<16xf32>,
      %get3A_340 = arith.index_cast %mul3A_333 : i32 to index
      %get3A_341 = tpu.vector_load %arg11[%get3A_340] {strides = array<i32>} : memref<256xf32, #tpu.memory_space<vmem>>, vector<16xf32>,
      %broadcast_in_dim3A_342 = arith.constant 0 : i32
      %broadcast_in_dim3A_343 = vector.broadcast %broadcast_in_dim3A_342 : i32 to vector<16xi32>
      %broadcast_in_dim3A_344 = arith.constant 0 : i32
      %broadcast_in_dim3A_345 = vector.broadcast %broadcast_in_dim3A_344 : i32 to vector<16xi32>
      %broadcast_in_dim3A_346 = arith.constant false
      %broadcast_in_dim3A_347 = vector.broadcast %broadcast_in_dim3A_346 : i1 to vector<16xi1>
      %broadcast_in_dim3A_348 = arith.constant false
      %broadcast_in_dim3A_349 = vector.broadcast %broadcast_in_dim3A_348 : i1 to vector<16xi1>
      %eq3A = arith.constant 0 : i32
      %eq3A_350 = vector.broadcast %eq3A : i32 to vector<16xi32>
      %eq3A_351 = arith.cmpi eq, %get3A_335, %eq3A_350 : vector<16xi32>
      %convert_element_type3A_352 = arith.extui %eq3A_351 : vector<16xi1> to vector<16xi32>
      %slice3A = vector.extract_strided_slice %scan3A_330 {offsets = [0], sizes = [1], strides = [1]} : vector<16xi32> to vector<1xi32>
      %squeeze3A = vector.extract %slice3A[0] : i32 from vector<1xi32>
      %broadcast_in_dim3A_353 = arith.constant true
      %broadcast_in_dim3A_354 = vector.broadcast %broadcast_in_dim3A_353 : i1 to vector<16xi1>
      %masked_cumsum3A = tpu.scan <sum>, %convert_element_type3A_352 masked %broadcast_in_dim3A_354 : vector<16xi32>, vector<16xi1> -> vector<16xi32>
      %add3A_355 = vector.broadcast %squeeze3A : i32 to vector<16xi32>
      %add3A_356 = arith.addi %add3A_355, %masked_cumsum3A : vector<16xi32>
      %sub3A = arith.constant 1 : i32
      %sub3A_357 = vector.broadcast %sub3A : i32 to vector<16xi32>
      %sub3A_358 = arith.subi %add3A_356, %sub3A_357 : vector<16xi32>
      %lt3A_359 = arith.constant 1280 : i32
      %lt3A_360 = vector.broadcast %lt3A_359 : i32 to vector<16xi32>
      %lt3A_361 = arith.cmpi slt, %sub3A_358, %lt3A_360 : vector<16xi32>
      %and3A = arith.andi %eq3A_351, %lt3A_361 : vector<16xi1>
      %select_n3A = arith.select %and3A, %sub3A_358, %broadcast_in_dim3A_343 : vector<16xi1>, vector<16xi32>
      %or3A = arith.ori %broadcast_in_dim3A_347, %and3A : vector<16xi1>
      %eq3A_362 = arith.constant 0 : i32
      %eq3A_363 = vector.broadcast %eq3A_362 : i32 to vector<16xi32>
      %eq3A_364 = arith.cmpi eq, %iota3A, %eq3A_363 : vector<16xi32>
      %reduce_sum3A = arith.constant true
      %reduce_sum3A_365 = vector.broadcast %reduce_sum3A : i1 to vector<16xi1>
      %reduce_sum3A_366 = tpu.scan <sum>, %convert_element_type3A_352 masked %reduce_sum3A_365 : vector<16xi32>, vector<16xi1> -> vector<16xi32>
      %reduce_sum3A_367 = vector.extract %reduce_sum3A_366[15] : i32 from vector<16xi32>
      %add3A_368 = vector.broadcast %reduce_sum3A_367 : i32 to vector<16xi32>
      %add3A_369 = arith.addi %scan3A_330, %add3A_368 : vector<16xi32>
      %select_n3A_370 = arith.select %eq3A_364, %add3A_369, %scan3A_330 : vector<16xi1>, vector<16xi32>
      %eq3A_371 = arith.constant 0 : i32
      %eq3A_372 = vector.broadcast %eq3A_371 : i32 to vector<16xi32>
      %eq3A_373 = arith.cmpi eq, %get3A_337, %eq3A_372 : vector<16xi32>
      %convert_element_type3A_374 = arith.extui %eq3A_373 : vector<16xi1> to vector<16xi32>
      %slice3A_375 = vector.extract_strided_slice %scan3A_331 {offsets = [0], sizes = [1], strides = [1]} : vector<16xi32> to vector<1xi32>
      %squeeze3A_376 = vector.extract %slice3A_375[0] : i32 from vector<1xi32>
      %broadcast_in_dim3A_377 = arith.constant true
      %broadcast_in_dim3A_378 = vector.broadcast %broadcast_in_dim3A_377 : i1 to vector<16xi1>
      %masked_cumsum3A_379 = tpu.scan <sum>, %convert_element_type3A_374 masked %broadcast_in_dim3A_378 : vector<16xi32>, vector<16xi1> -> vector<16xi32>
      %add3A_380 = vector.broadcast %squeeze3A_376 : i32 to vector<16xi32>
      %add3A_381 = arith.addi %add3A_380, %masked_cumsum3A_379 : vector<16xi32>
      %sub3A_382 = arith.constant 1 : i32
      %sub3A_383 = vector.broadcast %sub3A_382 : i32 to vector<16xi32>
      %sub3A_384 = arith.subi %add3A_381, %sub3A_383 : vector<16xi32>
      %lt3A_385 = arith.constant 1280 : i32
      %lt3A_386 = vector.broadcast %lt3A_385 : i32 to vector<16xi32>
      %lt3A_387 = arith.cmpi slt, %sub3A_384, %lt3A_386 : vector<16xi32>
      %and3A_388 = arith.andi %eq3A_373, %lt3A_387 : vector<16xi1>
      %select_n3A_389 = arith.select %and3A_388, %sub3A_384, %broadcast_in_dim3A_345 : vector<16xi1>, vector<16xi32>
      %or3A_390 = arith.ori %broadcast_in_dim3A_349, %and3A_388 : vector<16xi1>
      %eq3A_391 = arith.constant 0 : i32
      %eq3A_392 = vector.broadcast %eq3A_391 : i32 to vector<16xi32>
      %eq3A_393 = arith.cmpi eq, %iota3A, %eq3A_392 : vector<16xi32>
      %reduce_sum3A_394 = arith.constant true
      %reduce_sum3A_395 = vector.broadcast %reduce_sum3A_394 : i1 to vector<16xi1>
      %reduce_sum3A_396 = tpu.scan <sum>, %convert_element_type3A_374 masked %reduce_sum3A_395 : vector<16xi32>, vector<16xi1> -> vector<16xi32>
      %reduce_sum3A_397 = vector.extract %reduce_sum3A_396[15] : i32 from vector<16xi32>
      %add3A_398 = vector.broadcast %reduce_sum3A_397 : i32 to vector<16xi32>
      %add3A_399 = arith.addi %scan3A_331, %add3A_398 : vector<16xi32>
      %select_n3A_400 = arith.select %eq3A_393, %add3A_399, %scan3A_331 : vector<16xi1>, vector<16xi32>
      %eq3A_401 = arith.constant 1 : i32
      %eq3A_402 = vector.broadcast %eq3A_401 : i32 to vector<16xi32>
      %eq3A_403 = arith.cmpi eq, %get3A_335, %eq3A_402 : vector<16xi32>
      %convert_element_type3A_404 = arith.extui %eq3A_403 : vector<16xi1> to vector<16xi32>
      %slice3A_405 = vector.extract_strided_slice %select_n3A_370 {offsets = [1], sizes = [1], strides = [1]} : vector<16xi32> to vector<1xi32>
      %squeeze3A_406 = vector.extract %slice3A_405[0] : i32 from vector<1xi32>
      %broadcast_in_dim3A_407 = arith.constant true
      %broadcast_in_dim3A_408 = vector.broadcast %broadcast_in_dim3A_407 : i1 to vector<16xi1>
      %masked_cumsum3A_409 = tpu.scan <sum>, %convert_element_type3A_404 masked %broadcast_in_dim3A_408 : vector<16xi32>, vector<16xi1> -> vector<16xi32>
      %add3A_410 = vector.broadcast %squeeze3A_406 : i32 to vector<16xi32>
      %add3A_411 = arith.addi %add3A_410, %masked_cumsum3A_409 : vector<16xi32>
      %sub3A_412 = arith.constant 1 : i32
      %sub3A_413 = vector.broadcast %sub3A_412 : i32 to vector<16xi32>
      %sub3A_414 = arith.subi %add3A_411, %sub3A_413 : vector<16xi32>
      %lt3A_415 = arith.constant 1280 : i32
      %lt3A_416 = vector.broadcast %lt3A_415 : i32 to vector<16xi32>
      %lt3A_417 = arith.cmpi slt, %sub3A_414, %lt3A_416 : vector<16xi32>
      %and3A_418 = arith.andi %eq3A_403, %lt3A_417 : vector<16xi1>
      %select_n3A_419 = arith.select %and3A_418, %sub3A_414, %select_n3A : vector<16xi1>, vector<16xi32>
      %or3A_420 = arith.ori %or3A, %and3A_418 : vector<16xi1>
      %eq3A_421 = arith.constant 1 : i32
      %eq3A_422 = vector.broadcast %eq3A_421 : i32 to vector<16xi32>
      %eq3A_423 = arith.cmpi eq, %iota3A, %eq3A_422 : vector<16xi32>
      %reduce_sum3A_424 = arith.constant true
      %reduce_sum3A_425 = vector.broadcast %reduce_sum3A_424 : i1 to vector<16xi1>
      %reduce_sum3A_426 = tpu.scan <sum>, %convert_element_type3A_404 masked %reduce_sum3A_425 : vector<16xi32>, vector<16xi1> -> vector<16xi32>
      %reduce_sum3A_427 = vector.extract %reduce_sum3A_426[15] : i32 from vector<16xi32>
      %add3A_428 = vector.broadcast %reduce_sum3A_427 : i32 to vector<16xi32>
      %add3A_429 = arith.addi %select_n3A_370, %add3A_428 : vector<16xi32>
      %select_n3A_430 = arith.select %eq3A_423, %add3A_429, %select_n3A_370 : vector<16xi1>, vector<16xi32>
      %eq3A_431 = arith.constant 1 : i32
      %eq3A_432 = vector.broadcast %eq3A_431 : i32 to vector<16xi32>
      %eq3A_433 = arith.cmpi eq, %get3A_337, %eq3A_432 : vector<16xi32>
      %convert_element_type3A_434 = arith.extui %eq3A_433 : vector<16xi1> to vector<16xi32>
      %slice3A_435 = vector.extract_strided_slice %select_n3A_400 {offsets = [1], sizes = [1], strides = [1]} : vector<16xi32> to vector<1xi32>
      %squeeze3A_436 = vector.extract %slice3A_435[0] : i32 from vector<1xi32>
      %broadcast_in_dim3A_437 = arith.constant true
      %broadcast_in_dim3A_438 = vector.broadcast %broadcast_in_dim3A_437 : i1 to vector<16xi1>
      %masked_cumsum3A_439 = tpu.scan <sum>, %convert_element_type3A_434 masked %broadcast_in_dim3A_438 : vector<16xi32>, vector<16xi1> -> vector<16xi32>
      %add3A_440 = vector.broadcast %squeeze3A_436 : i32 to vector<16xi32>
      %add3A_441 = arith.addi %add3A_440, %masked_cumsum3A_439 : vector<16xi32>
      %sub3A_442 = arith.constant 1 : i32
      %sub3A_443 = vector.broadcast %sub3A_442 : i32 to vector<16xi32>
      %sub3A_444 = arith.subi %add3A_441, %sub3A_443 : vector<16xi32>
      %lt3A_445 = arith.constant 1280 : i32
      %lt3A_446 = vector.broadcast %lt3A_445 : i32 to vector<16xi32>
      %lt3A_447 = arith.cmpi slt, %sub3A_444, %lt3A_446 : vector<16xi32>
      %and3A_448 = arith.andi %eq3A_433, %lt3A_447 : vector<16xi1>
      %select_n3A_449 = arith.select %and3A_448, %sub3A_444, %select_n3A_389 : vector<16xi1>, vector<16xi32>
      %or3A_450 = arith.ori %or3A_390, %and3A_448 : vector<16xi1>
      %eq3A_451 = arith.constant 1 : i32
      %eq3A_452 = vector.broadcast %eq3A_451 : i32 to vector<16xi32>
      %eq3A_453 = arith.cmpi eq, %iota3A, %eq3A_452 : vector<16xi32>
      %reduce_sum3A_454 = arith.constant true
      %reduce_sum3A_455 = vector.broadcast %reduce_sum3A_454 : i1 to vector<16xi1>
      %reduce_sum3A_456 = tpu.scan <sum>, %convert_element_type3A_434 masked %reduce_sum3A_455 : vector<16xi32>, vector<16xi1> -> vector<16xi32>
      %reduce_sum3A_457 = vector.extract %reduce_sum3A_456[15] : i32 from vector<16xi32>
      %add3A_458 = vector.broadcast %reduce_sum3A_457 : i32 to vector<16xi32>
      %add3A_459 = arith.addi %select_n3A_400, %add3A_458 : vector<16xi32>
      %select_n3A_460 = arith.select %eq3A_453, %add3A_459, %select_n3A_400 : vector<16xi1>, vector<16xi32>
      %eq3A_461 = arith.constant 2 : i32
      %eq3A_462 = vector.broadcast %eq3A_461 : i32 to vector<16xi32>
      %eq3A_463 = arith.cmpi eq, %get3A_335, %eq3A_462 : vector<16xi32>
      %convert_element_type3A_464 = arith.extui %eq3A_463 : vector<16xi1> to vector<16xi32>
      %slice3A_465 = vector.extract_strided_slice %select_n3A_430 {offsets = [2], sizes = [1], strides = [1]} : vector<16xi32> to vector<1xi32>
      %squeeze3A_466 = vector.extract %slice3A_465[0] : i32 from vector<1xi32>
      %broadcast_in_dim3A_467 = arith.constant true
      %broadcast_in_dim3A_468 = vector.broadcast %broadcast_in_dim3A_467 : i1 to vector<16xi1>
      %masked_cumsum3A_469 = tpu.scan <sum>, %convert_element_type3A_464 masked %broadcast_in_dim3A_468 : vector<16xi32>, vector<16xi1> -> vector<16xi32>
      %add3A_470 = vector.broadcast %squeeze3A_466 : i32 to vector<16xi32>
      %add3A_471 = arith.addi %add3A_470, %masked_cumsum3A_469 : vector<16xi32>
      %sub3A_472 = arith.constant 1 : i32
      %sub3A_473 = vector.broadcast %sub3A_472 : i32 to vector<16xi32>
      %sub3A_474 = arith.subi %add3A_471, %sub3A_473 : vector<16xi32>
      %lt3A_475 = arith.constant 1280 : i32
      %lt3A_476 = vector.broadcast %lt3A_475 : i32 to vector<16xi32>
      %lt3A_477 = arith.cmpi slt, %sub3A_474, %lt3A_476 : vector<16xi32>
      %and3A_478 = arith.andi %eq3A_463, %lt3A_477 : vector<16xi1>
      %select_n3A_479 = arith.select %and3A_478, %sub3A_474, %select_n3A_419 : vector<16xi1>, vector<16xi32>
      %or3A_480 = arith.ori %or3A_420, %and3A_478 : vector<16xi1>
      %eq3A_481 = arith.constant 2 : i32
      %eq3A_482 = vector.broadcast %eq3A_481 : i32 to vector<16xi32>
      %eq3A_483 = arith.cmpi eq, %iota3A, %eq3A_482 : vector<16xi32>
      %reduce_sum3A_484 = arith.constant true
      %reduce_sum3A_485 = vector.broadcast %reduce_sum3A_484 : i1 to vector<16xi1>
      %reduce_sum3A_486 = tpu.scan <sum>, %convert_element_type3A_464 masked %reduce_sum3A_485 : vector<16xi32>, vector<16xi1> -> vector<16xi32>
      %reduce_sum3A_487 = vector.extract %reduce_sum3A_486[15] : i32 from vector<16xi32>
      %add3A_488 = vector.broadcast %reduce_sum3A_487 : i32 to vector<16xi32>
      %add3A_489 = arith.addi %select_n3A_430, %add3A_488 : vector<16xi32>
      %select_n3A_490 = arith.select %eq3A_483, %add3A_489, %select_n3A_430 : vector<16xi1>, vector<16xi32>
      %eq3A_491 = arith.constant 2 : i32
      %eq3A_492 = vector.broadcast %eq3A_491 : i32 to vector<16xi32>
      %eq3A_493 = arith.cmpi eq, %get3A_337, %eq3A_492 : vector<16xi32>
      %convert_element_type3A_494 = arith.extui %eq3A_493 : vector<16xi1> to vector<16xi32>
      %slice3A_495 = vector.extract_strided_slice %select_n3A_460 {offsets = [2], sizes = [1], strides = [1]} : vector<16xi32> to vector<1xi32>
      %squeeze3A_496 = vector.extract %slice3A_495[0] : i32 from vector<1xi32>
      %broadcast_in_dim3A_497 = arith.constant true
      %broadcast_in_dim3A_498 = vector.broadcast %broadcast_in_dim3A_497 : i1 to vector<16xi1>
      %masked_cumsum3A_499 = tpu.scan <sum>, %convert_element_type3A_494 masked %broadcast_in_dim3A_498 : vector<16xi32>, vector<16xi1> -> vector<16xi32>
      %add3A_500 = vector.broadcast %squeeze3A_496 : i32 to vector<16xi32>
      %add3A_501 = arith.addi %add3A_500, %masked_cumsum3A_499 : vector<16xi32>
      %sub3A_502 = arith.constant 1 : i32
      %sub3A_503 = vector.broadcast %sub3A_502 : i32 to vector<16xi32>
      %sub3A_504 = arith.subi %add3A_501, %sub3A_503 : vector<16xi32>
      %lt3A_505 = arith.constant 1280 : i32
      %lt3A_506 = vector.broadcast %lt3A_505 : i32 to vector<16xi32>
      %lt3A_507 = arith.cmpi slt, %sub3A_504, %lt3A_506 : vector<16xi32>
      %and3A_508 = arith.andi %eq3A_493, %lt3A_507 : vector<16xi1>
      %select_n3A_509 = arith.select %and3A_508, %sub3A_504, %select_n3A_449 : vector<16xi1>, vector<16xi32>
      %or3A_510 = arith.ori %or3A_450, %and3A_508 : vector<16xi1>
      %eq3A_511 = arith.constant 2 : i32
      %eq3A_512 = vector.broadcast %eq3A_511 : i32 to vector<16xi32>
      %eq3A_513 = arith.cmpi eq, %iota3A, %eq3A_512 : vector<16xi32>
      %reduce_sum3A_514 = arith.constant true
      %reduce_sum3A_515 = vector.broadcast %reduce_sum3A_514 : i1 to vector<16xi1>
      %reduce_sum3A_516 = tpu.scan <sum>, %convert_element_type3A_494 masked %reduce_sum3A_515 : vector<16xi32>, vector<16xi1> -> vector<16xi32>
      %reduce_sum3A_517 = vector.extract %reduce_sum3A_516[15] : i32 from vector<16xi32>
      %add3A_518 = vector.broadcast %reduce_sum3A_517 : i32 to vector<16xi32>
      %add3A_519 = arith.addi %select_n3A_460, %add3A_518 : vector<16xi32>
      %select_n3A_520 = arith.select %eq3A_513, %add3A_519, %select_n3A_460 : vector<16xi1>, vector<16xi32>
      %eq3A_521 = arith.constant 3 : i32
      %eq3A_522 = vector.broadcast %eq3A_521 : i32 to vector<16xi32>
      %eq3A_523 = arith.cmpi eq, %get3A_335, %eq3A_522 : vector<16xi32>
      %convert_element_type3A_524 = arith.extui %eq3A_523 : vector<16xi1> to vector<16xi32>
      %slice3A_525 = vector.extract_strided_slice %select_n3A_490 {offsets = [3], sizes = [1], strides = [1]} : vector<16xi32> to vector<1xi32>
      %squeeze3A_526 = vector.extract %slice3A_525[0] : i32 from vector<1xi32>
      %broadcast_in_dim3A_527 = arith.constant true
      %broadcast_in_dim3A_528 = vector.broadcast %broadcast_in_dim3A_527 : i1 to vector<16xi1>
      %masked_cumsum3A_529 = tpu.scan <sum>, %convert_element_type3A_524 masked %broadcast_in_dim3A_528 : vector<16xi32>, vector<16xi1> -> vector<16xi32>
      %add3A_530 = vector.broadcast %squeeze3A_526 : i32 to vector<16xi32>
      %add3A_531 = arith.addi %add3A_530, %masked_cumsum3A_529 : vector<16xi32>
      %sub3A_532 = arith.constant 1 : i32
      %sub3A_533 = vector.broadcast %sub3A_532 : i32 to vector<16xi32>
      %sub3A_534 = arith.subi %add3A_531, %sub3A_533 : vector<16xi32>
      %lt3A_535 = arith.constant 1280 : i32
      %lt3A_536 = vector.broadcast %lt3A_535 : i32 to vector<16xi32>
      %lt3A_537 = arith.cmpi slt, %sub3A_534, %lt3A_536 : vector<16xi32>
      %and3A_538 = arith.andi %eq3A_523, %lt3A_537 : vector<16xi1>
      %select_n3A_539 = arith.select %and3A_538, %sub3A_534, %select_n3A_479 : vector<16xi1>, vector<16xi32>
      %or3A_540 = arith.ori %or3A_480, %and3A_538 : vector<16xi1>
      %eq3A_541 = arith.constant 3 : i32
      %eq3A_542 = vector.broadcast %eq3A_541 : i32 to vector<16xi32>
      %eq3A_543 = arith.cmpi eq, %iota3A, %eq3A_542 : vector<16xi32>
      %reduce_sum3A_544 = arith.constant true
      %reduce_sum3A_545 = vector.broadcast %reduce_sum3A_544 : i1 to vector<16xi1>
      %reduce_sum3A_546 = tpu.scan <sum>, %convert_element_type3A_524 masked %reduce_sum3A_545 : vector<16xi32>, vector<16xi1> -> vector<16xi32>
      %reduce_sum3A_547 = vector.extract %reduce_sum3A_546[15] : i32 from vector<16xi32>
      %add3A_548 = vector.broadcast %reduce_sum3A_547 : i32 to vector<16xi32>
      %add3A_549 = arith.addi %select_n3A_490, %add3A_548 : vector<16xi32>
      %select_n3A_550 = arith.select %eq3A_543, %add3A_549, %select_n3A_490 : vector<16xi1>, vector<16xi32>
      %eq3A_551 = arith.constant 3 : i32
      %eq3A_552 = vector.broadcast %eq3A_551 : i32 to vector<16xi32>
      %eq3A_553 = arith.cmpi eq, %get3A_337, %eq3A_552 : vector<16xi32>
      %convert_element_type3A_554 = arith.extui %eq3A_553 : vector<16xi1> to vector<16xi32>
      %slice3A_555 = vector.extract_strided_slice %select_n3A_520 {offsets = [3], sizes = [1], strides = [1]} : vector<16xi32> to vector<1xi32>
      %squeeze3A_556 = vector.extract %slice3A_555[0] : i32 from vector<1xi32>
      %broadcast_in_dim3A_557 = arith.constant true
      %broadcast_in_dim3A_558 = vector.broadcast %broadcast_in_dim3A_557 : i1 to vector<16xi1>
      %masked_cumsum3A_559 = tpu.scan <sum>, %convert_element_type3A_554 masked %broadcast_in_dim3A_558 : vector<16xi32>, vector<16xi1> -> vector<16xi32>
      %add3A_560 = vector.broadcast %squeeze3A_556 : i32 to vector<16xi32>
      %add3A_561 = arith.addi %add3A_560, %masked_cumsum3A_559 : vector<16xi32>
      %sub3A_562 = arith.constant 1 : i32
      %sub3A_563 = vector.broadcast %sub3A_562 : i32 to vector<16xi32>
      %sub3A_564 = arith.subi %add3A_561, %sub3A_563 : vector<16xi32>
      %lt3A_565 = arith.constant 1280 : i32
      %lt3A_566 = vector.broadcast %lt3A_565 : i32 to vector<16xi32>
      %lt3A_567 = arith.cmpi slt, %sub3A_564, %lt3A_566 : vector<16xi32>
      %and3A_568 = arith.andi %eq3A_553, %lt3A_567 : vector<16xi1>
      %select_n3A_569 = arith.select %and3A_568, %sub3A_564, %select_n3A_509 : vector<16xi1>, vector<16xi32>
      %or3A_570 = arith.ori %or3A_510, %and3A_568 : vector<16xi1>
      %eq3A_571 = arith.constant 3 : i32
      %eq3A_572 = vector.broadcast %eq3A_571 : i32 to vector<16xi32>
      %eq3A_573 = arith.cmpi eq, %iota3A, %eq3A_572 : vector<16xi32>
      %reduce_sum3A_574 = arith.constant true
      %reduce_sum3A_575 = vector.broadcast %reduce_sum3A_574 : i1 to vector<16xi1>
      %reduce_sum3A_576 = tpu.scan <sum>, %convert_element_type3A_554 masked %reduce_sum3A_575 : vector<16xi32>, vector<16xi1> -> vector<16xi32>
      %reduce_sum3A_577 = vector.extract %reduce_sum3A_576[15] : i32 from vector<16xi32>
      %add3A_578 = vector.broadcast %reduce_sum3A_577 : i32 to vector<16xi32>
      %add3A_579 = arith.addi %select_n3A_520, %add3A_578 : vector<16xi32>
      %select_n3A_580 = arith.select %eq3A_573, %add3A_579, %select_n3A_520 : vector<16xi1>, vector<16xi32>
      %eq3A_581 = arith.constant 4 : i32
      %eq3A_582 = vector.broadcast %eq3A_581 : i32 to vector<16xi32>
      %eq3A_583 = arith.cmpi eq, %get3A_335, %eq3A_582 : vector<16xi32>
      %convert_element_type3A_584 = arith.extui %eq3A_583 : vector<16xi1> to vector<16xi32>
      %slice3A_585 = vector.extract_strided_slice %select_n3A_550 {offsets = [4], sizes = [1], strides = [1]} : vector<16xi32> to vector<1xi32>
      %squeeze3A_586 = vector.extract %slice3A_585[0] : i32 from vector<1xi32>
      %broadcast_in_dim3A_587 = arith.constant true
      %broadcast_in_dim3A_588 = vector.broadcast %broadcast_in_dim3A_587 : i1 to vector<16xi1>
      %masked_cumsum3A_589 = tpu.scan <sum>, %convert_element_type3A_584 masked %broadcast_in_dim3A_588 : vector<16xi32>, vector<16xi1> -> vector<16xi32>
      %add3A_590 = vector.broadcast %squeeze3A_586 : i32 to vector<16xi32>
      %add3A_591 = arith.addi %add3A_590, %masked_cumsum3A_589 : vector<16xi32>
      %sub3A_592 = arith.constant 1 : i32
      %sub3A_593 = vector.broadcast %sub3A_592 : i32 to vector<16xi32>
      %sub3A_594 = arith.subi %add3A_591, %sub3A_593 : vector<16xi32>
      %lt3A_595 = arith.constant 1280 : i32
      %lt3A_596 = vector.broadcast %lt3A_595 : i32 to vector<16xi32>
      %lt3A_597 = arith.cmpi slt, %sub3A_594, %lt3A_596 : vector<16xi32>
      %and3A_598 = arith.andi %eq3A_583, %lt3A_597 : vector<16xi1>
      %select_n3A_599 = arith.select %and3A_598, %sub3A_594, %select_n3A_539 : vector<16xi1>, vector<16xi32>
      %or3A_600 = arith.ori %or3A_540, %and3A_598 : vector<16xi1>
      %eq3A_601 = arith.constant 4 : i32
      %eq3A_602 = vector.broadcast %eq3A_601 : i32 to vector<16xi32>
      %eq3A_603 = arith.cmpi eq, %iota3A, %eq3A_602 : vector<16xi32>
      %reduce_sum3A_604 = arith.constant true
      %reduce_sum3A_605 = vector.broadcast %reduce_sum3A_604 : i1 to vector<16xi1>
      %reduce_sum3A_606 = tpu.scan <sum>, %convert_element_type3A_584 masked %reduce_sum3A_605 : vector<16xi32>, vector<16xi1> -> vector<16xi32>
      %reduce_sum3A_607 = vector.extract %reduce_sum3A_606[15] : i32 from vector<16xi32>
      %add3A_608 = vector.broadcast %reduce_sum3A_607 : i32 to vector<16xi32>
      %add3A_609 = arith.addi %select_n3A_550, %add3A_608 : vector<16xi32>
      %select_n3A_610 = arith.select %eq3A_603, %add3A_609, %select_n3A_550 : vector<16xi1>, vector<16xi32>
      %eq3A_611 = arith.constant 4 : i32
      %eq3A_612 = vector.broadcast %eq3A_611 : i32 to vector<16xi32>
      %eq3A_613 = arith.cmpi eq, %get3A_337, %eq3A_612 : vector<16xi32>
      %convert_element_type3A_614 = arith.extui %eq3A_613 : vector<16xi1> to vector<16xi32>
      %slice3A_615 = vector.extract_strided_slice %select_n3A_580 {offsets = [4], sizes = [1], strides = [1]} : vector<16xi32> to vector<1xi32>
      %squeeze3A_616 = vector.extract %slice3A_615[0] : i32 from vector<1xi32>
      %broadcast_in_dim3A_617 = arith.constant true
      %broadcast_in_dim3A_618 = vector.broadcast %broadcast_in_dim3A_617 : i1 to vector<16xi1>
      %masked_cumsum3A_619 = tpu.scan <sum>, %convert_element_type3A_614 masked %broadcast_in_dim3A_618 : vector<16xi32>, vector<16xi1> -> vector<16xi32>
      %add3A_620 = vector.broadcast %squeeze3A_616 : i32 to vector<16xi32>
      %add3A_621 = arith.addi %add3A_620, %masked_cumsum3A_619 : vector<16xi32>
      %sub3A_622 = arith.constant 1 : i32
      %sub3A_623 = vector.broadcast %sub3A_622 : i32 to vector<16xi32>
      %sub3A_624 = arith.subi %add3A_621, %sub3A_623 : vector<16xi32>
      %lt3A_625 = arith.constant 1280 : i32
      %lt3A_626 = vector.broadcast %lt3A_625 : i32 to vector<16xi32>
      %lt3A_627 = arith.cmpi slt, %sub3A_624, %lt3A_626 : vector<16xi32>
      %and3A_628 = arith.andi %eq3A_613, %lt3A_627 : vector<16xi1>
      %select_n3A_629 = arith.select %and3A_628, %sub3A_624, %select_n3A_569 : vector<16xi1>, vector<16xi32>
      %or3A_630 = arith.ori %or3A_570, %and3A_628 : vector<16xi1>
      %eq3A_631 = arith.constant 4 : i32
      %eq3A_632 = vector.broadcast %eq3A_631 : i32 to vector<16xi32>
      %eq3A_633 = arith.cmpi eq, %iota3A, %eq3A_632 : vector<16xi32>
      %reduce_sum3A_634 = arith.constant true
      %reduce_sum3A_635 = vector.broadcast %reduce_sum3A_634 : i1 to vector<16xi1>
      %reduce_sum3A_636 = tpu.scan <sum>, %convert_element_type3A_614 masked %reduce_sum3A_635 : vector<16xi32>, vector<16xi1> -> vector<16xi32>
      %reduce_sum3A_637 = vector.extract %reduce_sum3A_636[15] : i32 from vector<16xi32>
      %add3A_638 = vector.broadcast %reduce_sum3A_637 : i32 to vector<16xi32>
      %add3A_639 = arith.addi %select_n3A_580, %add3A_638 : vector<16xi32>
      %select_n3A_640 = arith.select %eq3A_633, %add3A_639, %select_n3A_580 : vector<16xi1>, vector<16xi32>
      %eq3A_641 = arith.constant 5 : i32
      %eq3A_642 = vector.broadcast %eq3A_641 : i32 to vector<16xi32>
      %eq3A_643 = arith.cmpi eq, %get3A_335, %eq3A_642 : vector<16xi32>
      %convert_element_type3A_644 = arith.extui %eq3A_643 : vector<16xi1> to vector<16xi32>
      %slice3A_645 = vector.extract_strided_slice %select_n3A_610 {offsets = [5], sizes = [1], strides = [1]} : vector<16xi32> to vector<1xi32>
      %squeeze3A_646 = vector.extract %slice3A_645[0] : i32 from vector<1xi32>
      %broadcast_in_dim3A_647 = arith.constant true
      %broadcast_in_dim3A_648 = vector.broadcast %broadcast_in_dim3A_647 : i1 to vector<16xi1>
      %masked_cumsum3A_649 = tpu.scan <sum>, %convert_element_type3A_644 masked %broadcast_in_dim3A_648 : vector<16xi32>, vector<16xi1> -> vector<16xi32>
      %add3A_650 = vector.broadcast %squeeze3A_646 : i32 to vector<16xi32>
      %add3A_651 = arith.addi %add3A_650, %masked_cumsum3A_649 : vector<16xi32>
      %sub3A_652 = arith.constant 1 : i32
      %sub3A_653 = vector.broadcast %sub3A_652 : i32 to vector<16xi32>
      %sub3A_654 = arith.subi %add3A_651, %sub3A_653 : vector<16xi32>
      %lt3A_655 = arith.constant 1280 : i32
      %lt3A_656 = vector.broadcast %lt3A_655 : i32 to vector<16xi32>
      %lt3A_657 = arith.cmpi slt, %sub3A_654, %lt3A_656 : vector<16xi32>
      %and3A_658 = arith.andi %eq3A_643, %lt3A_657 : vector<16xi1>
      %select_n3A_659 = arith.select %and3A_658, %sub3A_654, %select_n3A_599 : vector<16xi1>, vector<16xi32>
      %or3A_660 = arith.ori %or3A_600, %and3A_658 : vector<16xi1>
      %eq3A_661 = arith.constant 5 : i32
      %eq3A_662 = vector.broadcast %eq3A_661 : i32 to vector<16xi32>
      %eq3A_663 = arith.cmpi eq, %iota3A, %eq3A_662 : vector<16xi32>
      %reduce_sum3A_664 = arith.constant true
      %reduce_sum3A_665 = vector.broadcast %reduce_sum3A_664 : i1 to vector<16xi1>
      %reduce_sum3A_666 = tpu.scan <sum>, %convert_element_type3A_644 masked %reduce_sum3A_665 : vector<16xi32>, vector<16xi1> -> vector<16xi32>
      %reduce_sum3A_667 = vector.extract %reduce_sum3A_666[15] : i32 from vector<16xi32>
      %add3A_668 = vector.broadcast %reduce_sum3A_667 : i32 to vector<16xi32>
      %add3A_669 = arith.addi %select_n3A_610, %add3A_668 : vector<16xi32>
      %select_n3A_670 = arith.select %eq3A_663, %add3A_669, %select_n3A_610 : vector<16xi1>, vector<16xi32>
      %eq3A_671 = arith.constant 5 : i32
      %eq3A_672 = vector.broadcast %eq3A_671 : i32 to vector<16xi32>
      %eq3A_673 = arith.cmpi eq, %get3A_337, %eq3A_672 : vector<16xi32>
      %convert_element_type3A_674 = arith.extui %eq3A_673 : vector<16xi1> to vector<16xi32>
      %slice3A_675 = vector.extract_strided_slice %select_n3A_640 {offsets = [5], sizes = [1], strides = [1]} : vector<16xi32> to vector<1xi32>
      %squeeze3A_676 = vector.extract %slice3A_675[0] : i32 from vector<1xi32>
      %broadcast_in_dim3A_677 = arith.constant true
      %broadcast_in_dim3A_678 = vector.broadcast %broadcast_in_dim3A_677 : i1 to vector<16xi1>
      %masked_cumsum3A_679 = tpu.scan <sum>, %convert_element_type3A_674 masked %broadcast_in_dim3A_678 : vector<16xi32>, vector<16xi1> -> vector<16xi32>
      %add3A_680 = vector.broadcast %squeeze3A_676 : i32 to vector<16xi32>
      %add3A_681 = arith.addi %add3A_680, %masked_cumsum3A_679 : vector<16xi32>
      %sub3A_682 = arith.constant 1 : i32
      %sub3A_683 = vector.broadcast %sub3A_682 : i32 to vector<16xi32>
      %sub3A_684 = arith.subi %add3A_681, %sub3A_683 : vector<16xi32>
      %lt3A_685 = arith.constant 1280 : i32
      %lt3A_686 = vector.broadcast %lt3A_685 : i32 to vector<16xi32>
      %lt3A_687 = arith.cmpi slt, %sub3A_684, %lt3A_686 : vector<16xi32>
      %and3A_688 = arith.andi %eq3A_673, %lt3A_687 : vector<16xi1>
      %select_n3A_689 = arith.select %and3A_688, %sub3A_684, %select_n3A_629 : vector<16xi1>, vector<16xi32>
      %or3A_690 = arith.ori %or3A_630, %and3A_688 : vector<16xi1>
      %eq3A_691 = arith.constant 5 : i32
      %eq3A_692 = vector.broadcast %eq3A_691 : i32 to vector<16xi32>
      %eq3A_693 = arith.cmpi eq, %iota3A, %eq3A_692 : vector<16xi32>
      %reduce_sum3A_694 = arith.constant true
      %reduce_sum3A_695 = vector.broadcast %reduce_sum3A_694 : i1 to vector<16xi1>
      %reduce_sum3A_696 = tpu.scan <sum>, %convert_element_type3A_674 masked %reduce_sum3A_695 : vector<16xi32>, vector<16xi1> -> vector<16xi32>
      %reduce_sum3A_697 = vector.extract %reduce_sum3A_696[15] : i32 from vector<16xi32>
      %add3A_698 = vector.broadcast %reduce_sum3A_697 : i32 to vector<16xi32>
      %add3A_699 = arith.addi %select_n3A_640, %add3A_698 : vector<16xi32>
      %select_n3A_700 = arith.select %eq3A_693, %add3A_699, %select_n3A_640 : vector<16xi1>, vector<16xi32>
      %eq3A_701 = arith.constant 6 : i32
      %eq3A_702 = vector.broadcast %eq3A_701 : i32 to vector<16xi32>
      %eq3A_703 = arith.cmpi eq, %get3A_335, %eq3A_702 : vector<16xi32>
      %convert_element_type3A_704 = arith.extui %eq3A_703 : vector<16xi1> to vector<16xi32>
      %slice3A_705 = vector.extract_strided_slice %select_n3A_670 {offsets = [6], sizes = [1], strides = [1]} : vector<16xi32> to vector<1xi32>
      %squeeze3A_706 = vector.extract %slice3A_705[0] : i32 from vector<1xi32>
      %broadcast_in_dim3A_707 = arith.constant true
      %broadcast_in_dim3A_708 = vector.broadcast %broadcast_in_dim3A_707 : i1 to vector<16xi1>
      %masked_cumsum3A_709 = tpu.scan <sum>, %convert_element_type3A_704 masked %broadcast_in_dim3A_708 : vector<16xi32>, vector<16xi1> -> vector<16xi32>
      %add3A_710 = vector.broadcast %squeeze3A_706 : i32 to vector<16xi32>
      %add3A_711 = arith.addi %add3A_710, %masked_cumsum3A_709 : vector<16xi32>
      %sub3A_712 = arith.constant 1 : i32
      %sub3A_713 = vector.broadcast %sub3A_712 : i32 to vector<16xi32>
      %sub3A_714 = arith.subi %add3A_711, %sub3A_713 : vector<16xi32>
      %lt3A_715 = arith.constant 1280 : i32
      %lt3A_716 = vector.broadcast %lt3A_715 : i32 to vector<16xi32>
      %lt3A_717 = arith.cmpi slt, %sub3A_714, %lt3A_716 : vector<16xi32>
      %and3A_718 = arith.andi %eq3A_703, %lt3A_717 : vector<16xi1>
      %select_n3A_719 = arith.select %and3A_718, %sub3A_714, %select_n3A_659 : vector<16xi1>, vector<16xi32>
      %or3A_720 = arith.ori %or3A_660, %and3A_718 : vector<16xi1>
      %eq3A_721 = arith.constant 6 : i32
      %eq3A_722 = vector.broadcast %eq3A_721 : i32 to vector<16xi32>
      %eq3A_723 = arith.cmpi eq, %iota3A, %eq3A_722 : vector<16xi32>
      %reduce_sum3A_724 = arith.constant true
      %reduce_sum3A_725 = vector.broadcast %reduce_sum3A_724 : i1 to vector<16xi1>
      %reduce_sum3A_726 = tpu.scan <sum>, %convert_element_type3A_704 masked %reduce_sum3A_725 : vector<16xi32>, vector<16xi1> -> vector<16xi32>
      %reduce_sum3A_727 = vector.extract %reduce_sum3A_726[15] : i32 from vector<16xi32>
      %add3A_728 = vector.broadcast %reduce_sum3A_727 : i32 to vector<16xi32>
      %add3A_729 = arith.addi %select_n3A_670, %add3A_728 : vector<16xi32>
      %select_n3A_730 = arith.select %eq3A_723, %add3A_729, %select_n3A_670 : vector<16xi1>, vector<16xi32>
      %eq3A_731 = arith.constant 6 : i32
      %eq3A_732 = vector.broadcast %eq3A_731 : i32 to vector<16xi32>
      %eq3A_733 = arith.cmpi eq, %get3A_337, %eq3A_732 : vector<16xi32>
      %convert_element_type3A_734 = arith.extui %eq3A_733 : vector<16xi1> to vector<16xi32>
      %slice3A_735 = vector.extract_strided_slice %select_n3A_700 {offsets = [6], sizes = [1], strides = [1]} : vector<16xi32> to vector<1xi32>
      %squeeze3A_736 = vector.extract %slice3A_735[0] : i32 from vector<1xi32>
      %broadcast_in_dim3A_737 = arith.constant true
      %broadcast_in_dim3A_738 = vector.broadcast %broadcast_in_dim3A_737 : i1 to vector<16xi1>
      %masked_cumsum3A_739 = tpu.scan <sum>, %convert_element_type3A_734 masked %broadcast_in_dim3A_738 : vector<16xi32>, vector<16xi1> -> vector<16xi32>
      %add3A_740 = vector.broadcast %squeeze3A_736 : i32 to vector<16xi32>
      %add3A_741 = arith.addi %add3A_740, %masked_cumsum3A_739 : vector<16xi32>
      %sub3A_742 = arith.constant 1 : i32
      %sub3A_743 = vector.broadcast %sub3A_742 : i32 to vector<16xi32>
      %sub3A_744 = arith.subi %add3A_741, %sub3A_743 : vector<16xi32>
      %lt3A_745 = arith.constant 1280 : i32
      %lt3A_746 = vector.broadcast %lt3A_745 : i32 to vector<16xi32>
      %lt3A_747 = arith.cmpi slt, %sub3A_744, %lt3A_746 : vector<16xi32>
      %and3A_748 = arith.andi %eq3A_733, %lt3A_747 : vector<16xi1>
      %select_n3A_749 = arith.select %and3A_748, %sub3A_744, %select_n3A_689 : vector<16xi1>, vector<16xi32>
      %or3A_750 = arith.ori %or3A_690, %and3A_748 : vector<16xi1>
      %eq3A_751 = arith.constant 6 : i32
      %eq3A_752 = vector.broadcast %eq3A_751 : i32 to vector<16xi32>
      %eq3A_753 = arith.cmpi eq, %iota3A, %eq3A_752 : vector<16xi32>
      %reduce_sum3A_754 = arith.constant true
      %reduce_sum3A_755 = vector.broadcast %reduce_sum3A_754 : i1 to vector<16xi1>
      %reduce_sum3A_756 = tpu.scan <sum>, %convert_element_type3A_734 masked %reduce_sum3A_755 : vector<16xi32>, vector<16xi1> -> vector<16xi32>
      %reduce_sum3A_757 = vector.extract %reduce_sum3A_756[15] : i32 from vector<16xi32>
      %add3A_758 = vector.broadcast %reduce_sum3A_757 : i32 to vector<16xi32>
      %add3A_759 = arith.addi %select_n3A_700, %add3A_758 : vector<16xi32>
      %select_n3A_760 = arith.select %eq3A_753, %add3A_759, %select_n3A_700 : vector<16xi1>, vector<16xi32>
      %eq3A_761 = arith.constant 7 : i32
      %eq3A_762 = vector.broadcast %eq3A_761 : i32 to vector<16xi32>
      %eq3A_763 = arith.cmpi eq, %get3A_335, %eq3A_762 : vector<16xi32>
      %convert_element_type3A_764 = arith.extui %eq3A_763 : vector<16xi1> to vector<16xi32>
      %slice3A_765 = vector.extract_strided_slice %select_n3A_730 {offsets = [7], sizes = [1], strides = [1]} : vector<16xi32> to vector<1xi32>
      %squeeze3A_766 = vector.extract %slice3A_765[0] : i32 from vector<1xi32>
      %broadcast_in_dim3A_767 = arith.constant true
      %broadcast_in_dim3A_768 = vector.broadcast %broadcast_in_dim3A_767 : i1 to vector<16xi1>
      %masked_cumsum3A_769 = tpu.scan <sum>, %convert_element_type3A_764 masked %broadcast_in_dim3A_768 : vector<16xi32>, vector<16xi1> -> vector<16xi32>
      %add3A_770 = vector.broadcast %squeeze3A_766 : i32 to vector<16xi32>
      %add3A_771 = arith.addi %add3A_770, %masked_cumsum3A_769 : vector<16xi32>
      %sub3A_772 = arith.constant 1 : i32
      %sub3A_773 = vector.broadcast %sub3A_772 : i32 to vector<16xi32>
      %sub3A_774 = arith.subi %add3A_771, %sub3A_773 : vector<16xi32>
      %lt3A_775 = arith.constant 1280 : i32
      %lt3A_776 = vector.broadcast %lt3A_775 : i32 to vector<16xi32>
      %lt3A_777 = arith.cmpi slt, %sub3A_774, %lt3A_776 : vector<16xi32>
      %and3A_778 = arith.andi %eq3A_763, %lt3A_777 : vector<16xi1>
      %select_n3A_779 = arith.select %and3A_778, %sub3A_774, %select_n3A_719 : vector<16xi1>, vector<16xi32>
      %or3A_780 = arith.ori %or3A_720, %and3A_778 : vector<16xi1>
      %eq3A_781 = arith.constant 7 : i32
      %eq3A_782 = vector.broadcast %eq3A_781 : i32 to vector<16xi32>
      %eq3A_783 = arith.cmpi eq, %iota3A, %eq3A_782 : vector<16xi32>
      %reduce_sum3A_784 = arith.constant true
      %reduce_sum3A_785 = vector.broadcast %reduce_sum3A_784 : i1 to vector<16xi1>
      %reduce_sum3A_786 = tpu.scan <sum>, %convert_element_type3A_764 masked %reduce_sum3A_785 : vector<16xi32>, vector<16xi1> -> vector<16xi32>
      %reduce_sum3A_787 = vector.extract %reduce_sum3A_786[15] : i32 from vector<16xi32>
      %add3A_788 = vector.broadcast %reduce_sum3A_787 : i32 to vector<16xi32>
      %add3A_789 = arith.addi %select_n3A_730, %add3A_788 : vector<16xi32>
      %select_n3A_790 = arith.select %eq3A_783, %add3A_789, %select_n3A_730 : vector<16xi1>, vector<16xi32>
      %eq3A_791 = arith.constant 7 : i32
      %eq3A_792 = vector.broadcast %eq3A_791 : i32 to vector<16xi32>
      %eq3A_793 = arith.cmpi eq, %get3A_337, %eq3A_792 : vector<16xi32>
      %convert_element_type3A_794 = arith.extui %eq3A_793 : vector<16xi1> to vector<16xi32>
      %slice3A_795 = vector.extract_strided_slice %select_n3A_760 {offsets = [7], sizes = [1], strides = [1]} : vector<16xi32> to vector<1xi32>
      %squeeze3A_796 = vector.extract %slice3A_795[0] : i32 from vector<1xi32>
      %broadcast_in_dim3A_797 = arith.constant true
      %broadcast_in_dim3A_798 = vector.broadcast %broadcast_in_dim3A_797 : i1 to vector<16xi1>
      %masked_cumsum3A_799 = tpu.scan <sum>, %convert_element_type3A_794 masked %broadcast_in_dim3A_798 : vector<16xi32>, vector<16xi1> -> vector<16xi32>
      %add3A_800 = vector.broadcast %squeeze3A_796 : i32 to vector<16xi32>
      %add3A_801 = arith.addi %add3A_800, %masked_cumsum3A_799 : vector<16xi32>
      %sub3A_802 = arith.constant 1 : i32
      %sub3A_803 = vector.broadcast %sub3A_802 : i32 to vector<16xi32>
      %sub3A_804 = arith.subi %add3A_801, %sub3A_803 : vector<16xi32>
      %lt3A_805 = arith.constant 1280 : i32
      %lt3A_806 = vector.broadcast %lt3A_805 : i32 to vector<16xi32>
      %lt3A_807 = arith.cmpi slt, %sub3A_804, %lt3A_806 : vector<16xi32>
      %and3A_808 = arith.andi %eq3A_793, %lt3A_807 : vector<16xi1>
      %select_n3A_809 = arith.select %and3A_808, %sub3A_804, %select_n3A_749 : vector<16xi1>, vector<16xi32>
      %or3A_810 = arith.ori %or3A_750, %and3A_808 : vector<16xi1>
      %eq3A_811 = arith.constant 7 : i32
      %eq3A_812 = vector.broadcast %eq3A_811 : i32 to vector<16xi32>
      %eq3A_813 = arith.cmpi eq, %iota3A, %eq3A_812 : vector<16xi32>
      %reduce_sum3A_814 = arith.constant true
      %reduce_sum3A_815 = vector.broadcast %reduce_sum3A_814 : i1 to vector<16xi1>
      %reduce_sum3A_816 = tpu.scan <sum>, %convert_element_type3A_794 masked %reduce_sum3A_815 : vector<16xi32>, vector<16xi1> -> vector<16xi32>
      %reduce_sum3A_817 = vector.extract %reduce_sum3A_816[15] : i32 from vector<16xi32>
      %add3A_818 = vector.broadcast %reduce_sum3A_817 : i32 to vector<16xi32>
      %add3A_819 = arith.addi %select_n3A_760, %add3A_818 : vector<16xi32>
      %select_n3A_820 = arith.select %eq3A_813, %add3A_819, %select_n3A_760 : vector<16xi1>, vector<16xi32>
      %mul3A_821 = arith.constant 8 : i32
      %mul3A_822 = arith.muli %mul3A_333, %mul3A_821 : i32
      %broadcast_in_dim3A_823 = arith.constant -1 : i32
      %broadcast_in_dim3A_824 = vector.broadcast %broadcast_in_dim3A_823 : i32 to vector<16xi32>
      %add3A_825 = arith.constant 0 : i32
      %add3A_826 = arith.addi %mul3A_822, %add3A_825 : i32
      %swap3A_827 = arith.index_cast %add3A_826 : i32 to index
      %swap3A_828 = tpu.vector_load %arg14[%swap3A_827] {strides = array<i32>} : memref<2048xi32, #tpu.memory_space<vmem>>, vector<16xi32>,
      tpu.vector_store %arg14[%swap3A_827], %broadcast_in_dim3A_824 {strides = array<i32>} : memref<2048xi32, #tpu.memory_space<vmem>>, vector<16xi32>,
      %broadcast_in_dim3A_829 = arith.constant 0.000000e+00 : f32
      %broadcast_in_dim3A_830 = vector.broadcast %broadcast_in_dim3A_829 : f32 to vector<16xf32>
      %add3A_831 = arith.constant 0 : i32
      %add3A_832 = arith.addi %mul3A_822, %add3A_831 : i32
      %swap3A_833 = arith.index_cast %add3A_832 : i32 to index
      %swap3A_834 = tpu.vector_load %arg15[%swap3A_833] {strides = array<i32>} : memref<2048xf32, #tpu.memory_space<vmem>>, vector<16xf32>,
      tpu.vector_store %arg15[%swap3A_833], %broadcast_in_dim3A_830 {strides = array<i32>} : memref<2048xf32, #tpu.memory_space<vmem>>, vector<16xf32>,
      %broadcast_in_dim3A_835 = arith.constant -1 : i32
      %broadcast_in_dim3A_836 = vector.broadcast %broadcast_in_dim3A_835 : i32 to vector<16xi32>
      %add3A_837 = arith.constant 16 : i32
      %add3A_838 = arith.addi %mul3A_822, %add3A_837 : i32
      %swap3A_839 = arith.index_cast %add3A_838 : i32 to index
      %swap3A_840 = tpu.vector_load %arg14[%swap3A_839] {strides = array<i32>} : memref<2048xi32, #tpu.memory_space<vmem>>, vector<16xi32>,
      tpu.vector_store %arg14[%swap3A_839], %broadcast_in_dim3A_836 {strides = array<i32>} : memref<2048xi32, #tpu.memory_space<vmem>>, vector<16xi32>,
      %broadcast_in_dim3A_841 = arith.constant 0.000000e+00 : f32
      %broadcast_in_dim3A_842 = vector.broadcast %broadcast_in_dim3A_841 : f32 to vector<16xf32>
      %add3A_843 = arith.constant 16 : i32
      %add3A_844 = arith.addi %mul3A_822, %add3A_843 : i32
      %swap3A_845 = arith.index_cast %add3A_844 : i32 to index
      %swap3A_846 = tpu.vector_load %arg15[%swap3A_845] {strides = array<i32>} : memref<2048xf32, #tpu.memory_space<vmem>>, vector<16xf32>,
      tpu.vector_store %arg15[%swap3A_845], %broadcast_in_dim3A_842 {strides = array<i32>} : memref<2048xf32, #tpu.memory_space<vmem>>, vector<16xf32>,
      %broadcast_in_dim3A_847 = arith.constant -1 : i32
      %broadcast_in_dim3A_848 = vector.broadcast %broadcast_in_dim3A_847 : i32 to vector<16xi32>
      %add3A_849 = arith.constant 32 : i32
      %add3A_850 = arith.addi %mul3A_822, %add3A_849 : i32
      %swap3A_851 = arith.index_cast %add3A_850 : i32 to index
      %swap3A_852 = tpu.vector_load %arg14[%swap3A_851] {strides = array<i32>} : memref<2048xi32, #tpu.memory_space<vmem>>, vector<16xi32>,
      tpu.vector_store %arg14[%swap3A_851], %broadcast_in_dim3A_848 {strides = array<i32>} : memref<2048xi32, #tpu.memory_space<vmem>>, vector<16xi32>,
      %broadcast_in_dim3A_853 = arith.constant 0.000000e+00 : f32
      %broadcast_in_dim3A_854 = vector.broadcast %broadcast_in_dim3A_853 : f32 to vector<16xf32>
      %add3A_855 = arith.constant 32 : i32
      %add3A_856 = arith.addi %mul3A_822, %add3A_855 : i32
      %swap3A_857 = arith.index_cast %add3A_856 : i32 to index
      %swap3A_858 = tpu.vector_load %arg15[%swap3A_857] {strides = array<i32>} : memref<2048xf32, #tpu.memory_space<vmem>>, vector<16xf32>,
      tpu.vector_store %arg15[%swap3A_857], %broadcast_in_dim3A_854 {strides = array<i32>} : memref<2048xf32, #tpu.memory_space<vmem>>, vector<16xf32>,
      %broadcast_in_dim3A_859 = arith.constant -1 : i32
      %broadcast_in_dim3A_860 = vector.broadcast %broadcast_in_dim3A_859 : i32 to vector<16xi32>
      %add3A_861 = arith.constant 48 : i32
      %add3A_862 = arith.addi %mul3A_822, %add3A_861 : i32
      %swap3A_863 = arith.index_cast %add3A_862 : i32 to index
      %swap3A_864 = tpu.vector_load %arg14[%swap3A_863] {strides = array<i32>} : memref<2048xi32, #tpu.memory_space<vmem>>, vector<16xi32>,
      tpu.vector_store %arg14[%swap3A_863], %broadcast_in_dim3A_860 {strides = array<i32>} : memref<2048xi32, #tpu.memory_space<vmem>>, vector<16xi32>,
      %broadcast_in_dim3A_865 = arith.constant 0.000000e+00 : f32
      %broadcast_in_dim3A_866 = vector.broadcast %broadcast_in_dim3A_865 : f32 to vector<16xf32>
      %add3A_867 = arith.constant 48 : i32
      %add3A_868 = arith.addi %mul3A_822, %add3A_867 : i32
      %swap3A_869 = arith.index_cast %add3A_868 : i32 to index
      %swap3A_870 = tpu.vector_load %arg15[%swap3A_869] {strides = array<i32>} : memref<2048xf32, #tpu.memory_space<vmem>>, vector<16xf32>,
      tpu.vector_store %arg15[%swap3A_869], %broadcast_in_dim3A_866 {strides = array<i32>} : memref<2048xf32, #tpu.memory_space<vmem>>, vector<16xf32>,
      %broadcast_in_dim3A_871 = arith.constant -1 : i32
      %broadcast_in_dim3A_872 = vector.broadcast %broadcast_in_dim3A_871 : i32 to vector<16xi32>
      %add3A_873 = arith.constant 64 : i32
      %add3A_874 = arith.addi %mul3A_822, %add3A_873 : i32
      %swap3A_875 = arith.index_cast %add3A_874 : i32 to index
      %swap3A_876 = tpu.vector_load %arg14[%swap3A_875] {strides = array<i32>} : memref<2048xi32, #tpu.memory_space<vmem>>, vector<16xi32>,
      tpu.vector_store %arg14[%swap3A_875], %broadcast_in_dim3A_872 {strides = array<i32>} : memref<2048xi32, #tpu.memory_space<vmem>>, vector<16xi32>,
      %broadcast_in_dim3A_877 = arith.constant 0.000000e+00 : f32
      %broadcast_in_dim3A_878 = vector.broadcast %broadcast_in_dim3A_877 : f32 to vector<16xf32>
      %add3A_879 = arith.constant 64 : i32
      %add3A_880 = arith.addi %mul3A_822, %add3A_879 : i32
      %swap3A_881 = arith.index_cast %add3A_880 : i32 to index
      %swap3A_882 = tpu.vector_load %arg15[%swap3A_881] {strides = array<i32>} : memref<2048xf32, #tpu.memory_space<vmem>>, vector<16xf32>,
      tpu.vector_store %arg15[%swap3A_881], %broadcast_in_dim3A_878 {strides = array<i32>} : memref<2048xf32, #tpu.memory_space<vmem>>, vector<16xf32>,
      %broadcast_in_dim3A_883 = arith.constant -1 : i32
      %broadcast_in_dim3A_884 = vector.broadcast %broadcast_in_dim3A_883 : i32 to vector<16xi32>
      %add3A_885 = arith.constant 80 : i32
      %add3A_886 = arith.addi %mul3A_822, %add3A_885 : i32
      %swap3A_887 = arith.index_cast %add3A_886 : i32 to index
      %swap3A_888 = tpu.vector_load %arg14[%swap3A_887] {strides = array<i32>} : memref<2048xi32, #tpu.memory_space<vmem>>, vector<16xi32>,
      tpu.vector_store %arg14[%swap3A_887], %broadcast_in_dim3A_884 {strides = array<i32>} : memref<2048xi32, #tpu.memory_space<vmem>>, vector<16xi32>,
      %broadcast_in_dim3A_889 = arith.constant 0.000000e+00 : f32
      %broadcast_in_dim3A_890 = vector.broadcast %broadcast_in_dim3A_889 : f32 to vector<16xf32>
      %add3A_891 = arith.constant 80 : i32
      %add3A_892 = arith.addi %mul3A_822, %add3A_891 : i32
      %swap3A_893 = arith.index_cast %add3A_892 : i32 to index
      %swap3A_894 = tpu.vector_load %arg15[%swap3A_893] {strides = array<i32>} : memref<2048xf32, #tpu.memory_space<vmem>>, vector<16xf32>,
      tpu.vector_store %arg15[%swap3A_893], %broadcast_in_dim3A_890 {strides = array<i32>} : memref<2048xf32, #tpu.memory_space<vmem>>, vector<16xf32>,
      %broadcast_in_dim3A_895 = arith.constant -1 : i32
      %broadcast_in_dim3A_896 = vector.broadcast %broadcast_in_dim3A_895 : i32 to vector<16xi32>
      %add3A_897 = arith.constant 96 : i32
      %add3A_898 = arith.addi %mul3A_822, %add3A_897 : i32
      %swap3A_899 = arith.index_cast %add3A_898 : i32 to index
      %swap3A_900 = tpu.vector_load %arg14[%swap3A_899] {strides = array<i32>} : memref<2048xi32, #tpu.memory_space<vmem>>, vector<16xi32>,
      tpu.vector_store %arg14[%swap3A_899], %broadcast_in_dim3A_896 {strides = array<i32>} : memref<2048xi32, #tpu.memory_space<vmem>>, vector<16xi32>,
      %broadcast_in_dim3A_901 = arith.constant 0.000000e+00 : f32
      %broadcast_in_dim3A_902 = vector.broadcast %broadcast_in_dim3A_901 : f32 to vector<16xf32>
      %add3A_903 = arith.constant 96 : i32
      %add3A_904 = arith.addi %mul3A_822, %add3A_903 : i32
      %swap3A_905 = arith.index_cast %add3A_904 : i32 to index
      %swap3A_906 = tpu.vector_load %arg15[%swap3A_905] {strides = array<i32>} : memref<2048xf32, #tpu.memory_space<vmem>>, vector<16xf32>,
      tpu.vector_store %arg15[%swap3A_905], %broadcast_in_dim3A_902 {strides = array<i32>} : memref<2048xf32, #tpu.memory_space<vmem>>, vector<16xf32>,
      %broadcast_in_dim3A_907 = arith.constant -1 : i32
      %broadcast_in_dim3A_908 = vector.broadcast %broadcast_in_dim3A_907 : i32 to vector<16xi32>
      %add3A_909 = arith.constant 112 : i32
      %add3A_910 = arith.addi %mul3A_822, %add3A_909 : i32
      %swap3A_911 = arith.index_cast %add3A_910 : i32 to index
      %swap3A_912 = tpu.vector_load %arg14[%swap3A_911] {strides = array<i32>} : memref<2048xi32, #tpu.memory_space<vmem>>, vector<16xi32>,
      tpu.vector_store %arg14[%swap3A_911], %broadcast_in_dim3A_908 {strides = array<i32>} : memref<2048xi32, #tpu.memory_space<vmem>>, vector<16xi32>,
      %broadcast_in_dim3A_913 = arith.constant 0.000000e+00 : f32
      %broadcast_in_dim3A_914 = vector.broadcast %broadcast_in_dim3A_913 : f32 to vector<16xf32>
      %add3A_915 = arith.constant 112 : i32
      %add3A_916 = arith.addi %mul3A_822, %add3A_915 : i32
      %swap3A_917 = arith.index_cast %add3A_916 : i32 to index
      %swap3A_918 = tpu.vector_load %arg15[%swap3A_917] {strides = array<i32>} : memref<2048xf32, #tpu.memory_space<vmem>>, vector<16xf32>,
      tpu.vector_store %arg15[%swap3A_917], %broadcast_in_dim3A_914 {strides = array<i32>} : memref<2048xf32, #tpu.memory_space<vmem>>, vector<16xf32>,
      %broadcast_in_dim3A_919 = vector.broadcast %mul3A_333 : i32 to vector<16xi32>
      %add3A_920 = arith.addi %broadcast_in_dim3A_919, %iota3A : vector<16xi32>
      %mul3A_921 = arith.constant 8 : i32
      %mul3A_922 = vector.broadcast %mul3A_921 : i32 to vector<16xi32>
      %mul3A_923 = arith.muli %add3A_920, %mul3A_922 : vector<16xi32>
      %add3A_924 = arith.addi %mul3A_923, %get3A_335 : vector<16xi32>
      tpu.vector_store_idx %arg14[%add3A_924], %select_n3A_779 masked %or3A_780 : memref<2048xi32, #tpu.memory_space<vmem>>[vector<16xi32>], vector<16xi32>, vector<16xi1>
      %add3A_925 = arith.addi %mul3A_923, %get3A_337 : vector<16xi32>
      tpu.vector_store_idx %arg14[%add3A_925], %select_n3A_809 masked %or3A_810 : memref<2048xi32, #tpu.memory_space<vmem>>[vector<16xi32>], vector<16xi32>, vector<16xi1>
      %add3A_926 = arith.addi %mul3A_923, %get3A_335 : vector<16xi32>
      tpu.vector_store_idx %arg15[%add3A_926], %get3A_339 masked %or3A_780 : memref<2048xf32, #tpu.memory_space<vmem>>[vector<16xi32>], vector<16xf32>, vector<16xi1>
      %add3A_927 = arith.addi %mul3A_923, %get3A_337 : vector<16xi32>
      tpu.vector_store_idx %arg15[%add3A_927], %get3A_341 masked %or3A_810 : memref<2048xf32, #tpu.memory_space<vmem>>[vector<16xi32>], vector<16xf32>, vector<16xi1>
      scf.yield %select_n3A_790, %select_n3A_820 : vector<16xi32>, vector<16xi32>
    }
    %scan3A_324 = arith.constant 16 : i32
    %mul3A_325 = arith.constant 8 : i32
    %mul3A_326 = arith.muli %mul3A_0, %mul3A_325 : i32
    "tpu.region"() ({
      %run_scoped3A = tpu.sem_alloc : memref<!tpu.dma_semaphore, #tpu.memory_space<semaphore_mem>>
      %dma_start3A = tpu.memref_slice %arg3[%mul3A_326] : memref<32768xi32, #tpu.memory_space<hbm>> -> memref<2048xi32, #tpu.memory_space<hbm>>
      %dma_start3A_329 = tpu.memref_slice %arg3[%mul3A_326] : memref<32768xi32, #tpu.memory_space<hbm>> -> memref<2048xi32, #tpu.memory_space<hbm>>
      tpu.enqueue_dma source(%arg14 : memref<2048xi32, #tpu.memory_space<vmem>>) target(%dma_start3A_329 : memref<2048xi32, #tpu.memory_space<hbm>>) target_semaphore(%run_scoped3A : memref<!tpu.dma_semaphore, #tpu.memory_space<semaphore_mem>>)
      %dma_wait3A = tpu.memref_slice %arg3[%mul3A_326] : memref<32768xi32, #tpu.memory_space<hbm>> -> memref<2048xi32, #tpu.memory_space<hbm>>
      %dma_wait3A_330 = tpu.memref_slice %arg3[%mul3A_326] : memref<32768xi32, #tpu.memory_space<hbm>> -> memref<2048xi32, #tpu.memory_space<hbm>>
      tpu.wait_dma2 semaphore(%run_scoped3A : memref<!tpu.dma_semaphore, #tpu.memory_space<semaphore_mem>>) src(%arg14 : memref<2048xi32, #tpu.memory_space<vmem>>) dst(%dma_wait3A_330 : memref<2048xi32, #tpu.memory_space<hbm>>)
      tpu.yield
    }) : () -> ()
    %mul3A_327 = arith.constant 8 : i32
    %mul3A_328 = arith.muli %mul3A_0, %mul3A_327 : i32
    "tpu.region"() ({
      %run_scoped3A = tpu.sem_alloc : memref<!tpu.dma_semaphore, #tpu.memory_space<semaphore_mem>>
      %dma_start3A = tpu.memref_slice %arg4[%mul3A_328] : memref<32768xf32, #tpu.memory_space<hbm>> -> memref<2048xf32, #tpu.memory_space<hbm>>
      %dma_start3A_329 = tpu.memref_slice %arg4[%mul3A_328] : memref<32768xf32, #tpu.memory_space<hbm>> -> memref<2048xf32, #tpu.memory_space<hbm>>
      tpu.enqueue_dma source(%arg15 : memref<2048xf32, #tpu.memory_space<vmem>>) target(%dma_start3A_329 : memref<2048xf32, #tpu.memory_space<hbm>>) target_semaphore(%run_scoped3A : memref<!tpu.dma_semaphore, #tpu.memory_space<semaphore_mem>>)
      %dma_wait3A = tpu.memref_slice %arg4[%mul3A_328] : memref<32768xf32, #tpu.memory_space<hbm>> -> memref<2048xf32, #tpu.memory_space<hbm>>
      %dma_wait3A_330 = tpu.memref_slice %arg4[%mul3A_328] : memref<32768xf32, #tpu.memory_space<hbm>> -> memref<2048xf32, #tpu.memory_space<hbm>>
      tpu.wait_dma2 semaphore(%run_scoped3A : memref<!tpu.dma_semaphore, #tpu.memory_space<semaphore_mem>>) src(%arg15 : memref<2048xf32, #tpu.memory_space<vmem>>) dst(%dma_wait3A_330 : memref<2048xf32, #tpu.memory_space<hbm>>)
      tpu.yield
    }) : () -> ()
    return
  }
}

module attributes {stable_mosaic.version = 14 : i64} {
  func.func @_tc_materialize_body(%arg0: i32, %arg1: memref<256x8xi32, #tpu.memory_space<vmem>>, %arg2: memref<256x8xf32, #tpu.memory_space<vmem>>, %arg3: memref<16x16xi32, #tpu.memory_space<vmem>>, %arg4: memref<16x16xi32, #tpu.memory_space<vmem>>, %arg5: memref<256x8x1280xf32, #tpu.memory_space<vmem>>, %arg6: memref<256x8x1280xi8, #tpu.memory_space<vmem>>, %arg7: memref<1x8xi32, #tpu.memory_space<vmem>>) attributes {dimension_semantics = [#tpu.dimension_semantics<arbitrary>], iteration_bounds = array<i64: 16>, scalar_prefetch = 0 : i64, scratch_operands = 0 : i64, tpu.core_type = #tpu.core_type<tc>, window_params = [{transform_indices = @transform_0, window_bounds = array<i64: 256, 8>}, {transform_indices = @transform_1, window_bounds = array<i64: 256, 8>}, {pipeline_mode = #tpu.pipeline_mode<synchronous>, transform_indices = @transform_2, window_bounds = array<i64: 16, 16>}, {pipeline_mode = #tpu.pipeline_mode<synchronous>, transform_indices = @transform_3, window_bounds = array<i64: 16, 16>}, {transform_indices = @transform_4, window_bounds = array<i64: 256, 8, 1280>}, {transform_indices = @transform_5, window_bounds = array<i64: 256, 8, 1280>}, {pipeline_mode = #tpu.pipeline_mode<synchronous>, transform_indices = @transform_6, window_bounds = array<i64: 1, 8>}]} {
    %get3A = arith.constant 0 : index
    %get3A_0 = arith.constant 0 : index
    %get3A_1 = vector.load %arg1[%get3A, %get3A_0] : memref<256x8xi32, #tpu.memory_space<vmem>>, vector<256x8xi32>
    %broadcast_in_dim3A = vector.shape_cast %get3A_1 : vector<256x8xi32> to vector<256x8x1xi32>
    %get3A_2 = arith.constant 0 : index
    %get3A_3 = arith.constant 0 : index
    %get3A_4 = vector.load %arg2[%get3A_2, %get3A_3] : memref<256x8xf32, #tpu.memory_space<vmem>>, vector<256x8xf32>
    %broadcast_in_dim3A_5 = vector.shape_cast %get3A_4 : vector<256x8xf32> to vector<256x8x1xf32>
    %iota3A = tpu.iota {dimensions = array<i32: 2>} : vector<256x8x1280xi32>
    %eq3A = vector.broadcast %broadcast_in_dim3A : vector<256x8x1xi32> to vector<256x8x1280xi32>
    %eq3A_6 = arith.cmpi eq, %iota3A, %eq3A : vector<256x8x1280xi32>
    %broadcast_in_dim3A_7 = arith.constant 0.000000e+00 : f32
    %broadcast_in_dim3A_8 = vector.broadcast %broadcast_in_dim3A_7 : f32 to vector<256x8x1xf32>
    %broadcast_in_dim3A_9 = vector.shape_cast %broadcast_in_dim3A_5 : vector<256x8x1xf32> to vector<256x8x1xf32>
    %broadcast_in_dim3A_10 = vector.broadcast %broadcast_in_dim3A_9 : vector<256x8x1xf32> to vector<256x8x1280xf32>
    %broadcast_in_dim3A_11 = vector.shape_cast %broadcast_in_dim3A_8 : vector<256x8x1xf32> to vector<256x8x1xf32>
    %broadcast_in_dim3A_12 = vector.broadcast %broadcast_in_dim3A_11 : vector<256x8x1xf32> to vector<256x8x1280xf32>
    %select_n3A = arith.select %eq3A_6, %broadcast_in_dim3A_10, %broadcast_in_dim3A_12 : vector<256x8x1280xi1>, vector<256x8x1280xf32>
    %swap3A = arith.constant 0 : index
    %swap3A_13 = arith.constant 0 : index
    %swap3A_14 = arith.constant 0 : index
    %swap3A_15 = vector.load %arg5[%swap3A, %swap3A_13, %swap3A_14] : memref<256x8x1280xf32, #tpu.memory_space<vmem>>, vector<256x8x1280xf32>
    tpu.vector_store %arg5[%swap3A, %swap3A_13, %swap3A_14], %select_n3A {strides = array<i32>} : memref<256x8x1280xf32, #tpu.memory_space<vmem>>, vector<256x8x1280xf32>,
    %gt3A = arith.constant 0.000000e+00 : f32
    %gt3A_16 = vector.broadcast %gt3A : f32 to vector<256x8x1xf32>
    %gt3A_17 = arith.cmpf ogt, %broadcast_in_dim3A_5, %gt3A_16 : vector<256x8x1xf32>
    %and3A = vector.broadcast %gt3A_17 : vector<256x8x1xi1> to vector<256x8x1280xi1>
    %and3A_18 = arith.andi %eq3A_6, %and3A : vector<256x8x1280xi1>
    %jit3A = arith.constant 1 : i32
    %jit3A_19 = arith.constant 0 : i32
    %broadcast_in_dim3A_20 = vector.broadcast %jit3A : i32 to vector<256x8x1280xi32>
    %broadcast_in_dim3A_21 = vector.broadcast %jit3A_19 : i32 to vector<256x8x1280xi32>
    %select_n3A_22 = arith.select %and3A_18, %broadcast_in_dim3A_20, %broadcast_in_dim3A_21 : vector<256x8x1280xi1>, vector<256x8x1280xi32>
    %convert_element_type3A = arith.trunci %select_n3A_22 : vector<256x8x1280xi32> to vector<256x8x1280xi8>
    %swap3A_23 = arith.constant 0 : index
    %swap3A_24 = arith.constant 0 : index
    %swap3A_25 = arith.constant 0 : index
    %swap3A_26 = vector.load %arg6[%swap3A_23, %swap3A_24, %swap3A_25] : memref<256x8x1280xi8, #tpu.memory_space<vmem>>, vector<256x8x1280xi8>
    tpu.vector_store %arg6[%swap3A_23, %swap3A_24, %swap3A_25], %convert_element_type3A {strides = array<i32>} : memref<256x8x1280xi8, #tpu.memory_space<vmem>>, vector<256x8x1280xi8>,
    %eq3A_27 = arith.constant 0 : i32
    %eq3A_28 = arith.cmpi eq, %arg0, %eq3A_27 : i32
    %convert_element_type3A_29 = arith.extui %eq3A_28 : i1 to i32
    %cond3A = arith.constant 0 : i32
    %cond3A_30 = arith.cmpi ne, %convert_element_type3A_29, %cond3A : i32
    scf.if %cond3A_30 {
      %get3A_31 = arith.constant 0 : index
      %get3A_32 = arith.constant 0 : index
      %get3A_33 = vector.load %arg3[%get3A_31, %get3A_32] : memref<16x16xi32, #tpu.memory_space<vmem>>, vector<16x16xi32>
      %get3A_34 = arith.constant 0 : index
      %get3A_35 = arith.constant 0 : index
      %get3A_36 = vector.load %arg4[%get3A_34, %get3A_35] : memref<16x16xi32, #tpu.memory_space<vmem>>, vector<16x16xi32>
      %add3A = arith.addi %get3A_33, %get3A_36 : vector<16x16xi32>
      %reduce_sum3A = arith.constant dense<0> : vector<16xi32>
      %reduce_sum3A_37 = vector.multi_reduction <add>, %add3A, %reduce_sum3A [0] : vector<16x16xi32> to vector<16xi32>
      %min3A = arith.constant 1280 : i32
      %min3A_38 = vector.broadcast %min3A : i32 to vector<16xi32>
      %min3A_39 = arith.minsi %reduce_sum3A_37, %min3A_38 : vector<16xi32>
      %slice3A = vector.extract_strided_slice %min3A_39 {offsets = [0], sizes = [8], strides = [1]} : vector<16xi32> to vector<8xi32>
      %reshape3A = vector.shape_cast %slice3A : vector<8xi32> to vector<1x8xi32>
      %swap3A_40 = arith.constant 0 : index
      %swap3A_41 = arith.constant 0 : index
      %swap3A_42 = vector.load %arg7[%swap3A_40, %swap3A_41] : memref<1x8xi32, #tpu.memory_space<vmem>>, vector<1x8xi32>
      tpu.vector_store %arg7[%swap3A_40, %swap3A_41], %reshape3A {strides = array<i32>} : memref<1x8xi32, #tpu.memory_space<vmem>>, vector<1x8xi32>,
    } else {
    }
    return
  }
  func.func @transform_0(%arg0: i32) -> (i32, i32) {
    %c0_i32 = arith.constant 0 : i32
    %c0_i32_0 = arith.constant 0 : i32
    return %arg0, %c0_i32 : i32, i32
  }
  func.func @transform_1(%arg0: i32) -> (i32, i32) {
    %c0_i32 = arith.constant 0 : i32
    %c0_i32_0 = arith.constant 0 : i32
    return %arg0, %c0_i32 : i32, i32
  }
  func.func @transform_2(%arg0: i32) -> (i32, i32) {
    %c0_i32 = arith.constant 0 : i32
    %c0_i32_0 = arith.constant 0 : i32
    %c0_i32_1 = arith.constant 0 : i32
    return %c0_i32, %c0_i32_0 : i32, i32
  }
  func.func @transform_3(%arg0: i32) -> (i32, i32) {
    %c0_i32 = arith.constant 0 : i32
    %c0_i32_0 = arith.constant 0 : i32
    %c0_i32_1 = arith.constant 0 : i32
    return %c0_i32, %c0_i32_0 : i32, i32
  }
  func.func @transform_4(%arg0: i32) -> (i32, i32, i32) {
    %c0_i32 = arith.constant 0 : i32
    %c0_i32_0 = arith.constant 0 : i32
    %c0_i32_1 = arith.constant 0 : i32
    return %arg0, %c0_i32, %c0_i32_0 : i32, i32, i32
  }
  func.func @transform_5(%arg0: i32) -> (i32, i32, i32) {
    %c0_i32 = arith.constant 0 : i32
    %c0_i32_0 = arith.constant 0 : i32
    %c0_i32_1 = arith.constant 0 : i32
    return %arg0, %c0_i32, %c0_i32_0 : i32, i32, i32
  }
  func.func @transform_6(%arg0: i32) -> (i32, i32) {
    %c0_i32 = arith.constant 0 : i32
    %c0_i32_0 = arith.constant 0 : i32
    %c0_i32_1 = arith.constant 0 : i32
    return %c0_i32, %c0_i32_0 : i32, i32
  }
}

</mosaic_0001>

<sc_bundles>
// kernel: kernel.4.cloned.1.call-start
scs
__scs_entry_jumppad:
0x0: {  	(pc) =	sbr.rel $0x88, $3  }
0x1: {  	(tag) =	ssettag $0x0;
	lr =	simm.s32 $0x1  }
0x2: {  	[smem:$0x3FA0] =	sst lr;
	_ =	strace $0xD0000000  }
0x3: {  	_ = 	snop  }
0x4: {  	_ = 	snop  }
0x5: {  	_ = 	snop  }
0x6: {  	_ = 	snop  }
0x7: {  	_ = 	snop  }
__scs_overlays_trampoline_lowered:
0x8: {  	[smem:$0x3FAF] =	sst s0  }
0x9: {  	[smem:$0x3FB0] =	sst s1  }
0xa: {  	[smem:$0x3FB1] =	sst s2  }
0xb: {  	[smem:$0x3FB2] =	sst s3  }
0xc: {  	[smem:$0x3FB3] =	sst s4  }
0xd: {  	[smem:$0x3FB4] =	sst s5  }
0xe: {  	[smem:$0x3FB5] =	sst s6  }
0xf: {  	[smem:$0x3FB6] =	sst s7  }
0x10: {  	[smem:$0x3FB7] =	sst s8  }
0x11: {  	[smem:$0x3FB8] =	sst s9;
	s0 =	simm.s32 @!p0 $0x0  }
0x12: {  	s1 =	sld [smem:$0x3F9E];
	s0 =	simm.s32 @p0 $0x1  }
0x13: {  	[smem:$0x3FB9] =	sst s0;
	s0 =	simm.s32 @!p1 $0x0  }
0x14: {  	s2 =	sld [smem:$0x3F9D];
	s0 =	simm.s32 @p1 $0x1  }
0x15: {  	[smem:$0x3FBA] =	sst s0;
	s0 =	simm.s32 @!p2 $0x0  }
0x16: {  	s3 =	sld [smem:$0x3FDB];
	s0 =	simm.s32 @p2 $0x1  }
0x17: {  	s4 =	simm.s32 $0x1BF5;
	[smem:$0x3FBC] =	sst s0  }
0x18: {  	s0 =	sld [smem:$0x3F9F];
	_ =	swait.ge [sflag:s4], $0x0  }
0x19: {  	s7 =	sld [smem:$0x3FA0]  }
0x1a: {  	s8 =	sadd.s32 $0xFFFFE003, lr  }
0x1b: {  	s9 =	sadd.s32 $0xFFFFFEF7, lr;
	s5 =	simm.s32 $0xFFFFFFFF;
	p2 =	slt.u32 s8, $0xFFFFF086  }
0x1c: {  	p1 =	slt.u32 s9, $0xF7A;
	s5 =	simm.s32 @!p2 $0x0  }
0x1d: {  	s5 =	simm.s32 @p1 $0x1;
	p0 =	seq.s32 s7, s2  }
0x1e: {  	s7 =	smul.u32 @!p0 $0xF7A, s2;
	p2 =	seq.s32 @!p0 s5, $0x0  }
0x1f: {  	s9 =	smul.u32 $0xF7A, s1;
	s8 =	simm.s32 @!p0 $0x1BF5;
	p2 =	por !p2, p0  }
0x20: {  	[sflag:s8] =	ssyncset.s32 @!p0 $0xFFFFF086;
	s6 =	sadd.s32 @!p0 s3, s7;
	s7 =	simm.s32 @!p0 $0x108  }
0x21: {  	s3 =	sadd.s32 s3, s9;
	s6 =	sadd.s32 @!p0 $0x88, s6;
	s7 =	simm.s32 @p2 $0x1082  }
0x22: {  	[simem:s7], [sflag:s8] =	dma.local @!p0 [hbm:s6], $0xF7A  }
0x23: {  	s9 =	sor.u32 $0xD0000000, s2;
	s6 =	simm.s32 $0x108;
	_ =	swait.ge @!p0 [sflag:s8], $0x0  }
0x24: {  	s3 =	sadd.s32 $0x88, s3;
	s6 =	simm.s32 @!p1 $0x1082;
	[sflag:s4] =	ssyncset.s32 $0xFFFFF086  }
0x25: {  	[simem:s6], [sflag:s4] =	dma.local [hbm:s3], $0xF7A  }
0x26: {  	[smem:$0x3FA0] =	sst s1;
	(tag) =	ssettag s2;
	_ =	strace s9  }
0x27: {  	s1 =	sld [smem:$0x3FB0]  }
0x28: {  	s2 =	sld [smem:$0x3FB1]  }
0x29: {  	s4 =	sld [smem:$0x3FB3]  }
0x2a: {  	p0 =	seq.s32 s5, $0x0;
	s5 =	sld [smem:$0x3FB4]  }
0x2b: {  	s6 =	sld [smem:$0x3FB5]  }
0x2c: {  	s7 =	sld [smem:$0x3FB6]  }
0x2d: {  	s3 =	simm.s32 $0x108;
	s8 =	sld [smem:$0x3FB7]  }
0x2e: {  	s3 =	simm.s32 @!p0 $0x1082;
	s9 =	sld [smem:$0x3FB8]  }
0x2f: {  	lr =	sadd.s32 s0, s3;
	s0 =	sld [smem:$0x3FAF]  }
0x30: {  	s3 =	sld [smem:$0x3FB2]  }
0x31: {  	[smem:$0x3FBB] =	sst s10  }
0x32: {  	s10 =	sld [smem:$0x3FB9];
	_ =	sdelay $0x3  }
0x33: {  	p0 =	seq.s32 s10, $0x1;
	s10 =	sld [smem:$0x3FBB];
	_ =	sdelay $0x3  }
0x34: {  	[smem:$0x3FBB] =	sst s10  }
0x35: {  	s10 =	sld [smem:$0x3FBA];
	_ =	sdelay $0x3  }
0x36: {  	p1 =	seq.s32 s10, $0x1;
	s10 =	sld [smem:$0x3FBB];
	_ =	sdelay $0x3  }
0x37: {  	[smem:$0x3FBB] =	sst s10  }
0x38: {  	s10 =	sld [smem:$0x3FBC]  }
0x39: {  	_ = 	snop;
	(pc) =	sbr.ind lr, $3  }
0x3a: {  	_ = 	snop  }
0x3b: {  	_ = 	snop  }
0x3c: {  	p2 =	seq.s32 s10, $0x1;
	s10 =	sld [smem:$0x3FBB]  }
0x3d: {  	_ =	shalt  }
0x3e: {  	_ =	shalt  }
0x3f: {  	_ =	shalt  }
0x40: {  	_ =	shalt  }
0x41: {  	_ =	shalt  }
0x42: {  	_ =	shalt  }
0x43: {  	_ =	shalt  }
0x44: {  	_ =	shalt  }
0x45: {  	_ =	shalt  }
0x46: {  	_ =	shalt  }
0x47: {  	_ =	shalt  }
0x48: {  	_ =	shalt  }
0x49: {  	_ =	shalt  }
0x4a: {  	_ =	shalt  }
0x4b: {  	_ =	shalt  }
0x4c: {  	_ =	shalt  }
0x4d: {  	_ =	shalt  }
0x4e: {  	_ =	shalt  }
0x4f: {  	_ =	shalt  }
0x50: {  	_ =	shalt  }
0x51: {  	_ =	shalt  }
0x52: {  	_ =	shalt  }
0x53: {  	_ =	shalt  }
0x54: {  	_ =	shalt  }
0x55: {  	_ =	shalt  }
0x56: {  	_ =	shalt  }
0x57: {  	_ =	shalt  }
0x58: {  	_ =	shalt  }
0x59: {  	_ =	shalt  }
0x5a: {  	_ =	shalt  }
0x5b: {  	_ =	shalt  }
0x5c: {  	_ =	shalt  }
0x5d: {  	_ =	shalt  }
0x5e: {  	_ =	shalt  }
0x5f: {  	_ =	shalt  }
0x60: {  	_ =	shalt  }
0x61: {  	_ =	shalt  }
0x62: {  	_ =	shalt  }
0x63: {  	_ =	shalt  }
0x64: {  	_ =	shalt  }
0x65: {  	_ =	shalt  }
0x66: {  	_ =	shalt  }
0x67: {  	_ =	shalt  }
0x68: {  	_ =	shalt  }
0x69: {  	_ =	shalt  }
0x6a: {  	_ =	shalt  }
0x6b: {  	_ =	shalt  }
0x6c: {  	_ =	shalt  }
0x6d: {  	_ =	shalt  }
0x6e: {  	_ =	shalt  }
0x6f: {  	_ =	shalt  }
0x70: {  	_ =	shalt  }
0x71: {  	_ =	shalt  }
0x72: {  	_ =	shalt  }
0x73: {  	_ =	shalt  }
0x74: {  	_ =	shalt  }
0x75: {  	_ =	shalt  }
0x76: {  	_ =	shalt  }
0x77: {  	_ =	shalt  }
0x78: {  	_ =	shalt  }
0x79: {  	_ =	shalt  }
0x7a: {  	_ =	shalt  }
0x7b: {  	_ =	shalt  }
0x7c: {  	_ =	shalt  }
0x7d: {  	_ =	shalt  }
0x7e: {  	_ =	shalt  }
0x7f: {  	_ =	shalt  }
0x80: {  	_ =	shalt  }
0x81: {  	_ =	shalt  }
0x82: {  	_ =	shalt  }
0x83: {  	_ =	shalt  }
0x84: {  	_ =	shalt  }
0x85: {  	_ =	shalt  }
0x86: {  	_ =	shalt  }
0x87: {  	_ =	shalt  }
.Lfunc_end0:
.L_simem_size_0:
called_computation_lowered:
.L_overlay_start_0:
0x88: {  	s0 =	sld [smem:$0x3FD9]  }
0x89: {  	s1 =	sld [smem:$0x3FFE];
	_ =	sdelay $0x3  }
0x8a: {  	s0 =	sadd.s32 s1, s0  }
0x8b: {  	[smem:$0x3FC7] =	sst s0  }
0x8c: {  	_ = 	snop  }
0x8d: {  	s0 =	sld [smem:$0x3FD0];
	_ =	sdelay $0x2  }
0x8e: {  	s13 =	simm.s32 $0xA;
	s2 =	simm.s32 $0x10  }
0x8f: {  	[smem:s2], [sflag:s13] =	dma.local [hbm:s0], $0x1  }
0x90: {  	_ =	swait.eq [sflag:s13], $0x1  }
0x91: {  	[sflag:s13] =	ssyncset.done $0x0  }
0x92: {  	s14 =	sld [smem:$0x11];
	[sflag:s13] =	ssyncadd.s32 $0xFFFFFFFF  }
0x93: {  	s15 =	sld [smem:$0x12];
	(tm) =	ssettm $0x1  }
0x94: {  	s16 =	sld [smem:$0x3FFB];
	_ =	sdelay $0x3  }
0x95: {  	_ =	strace s16  }
0x96: {  	s2 =	sld [smem:$0x3FFC];
	_ =	sdelay $0x3  }
0x97: {  	_ =	strace s2  }
0x98: {  	s2 =	sld [smem:$0x3FFD];
	_ =	sdelay $0x3  }
0x99: {  	_ =	strace s2  }
0x9a: {  	_ =	strace $0x8FFFFFFF  }
0x9b: {  	s17 =	sld [smem:$0x3FDB];
	_ =	sdelay $0x1  }
0x9c: {  	s3 =	simm.s32 $_scs_section_size  }
0x9d: {  	s4 =	simm.s32 $_size__tile_overlayer_lowered;
	s5 =	simm.s32 $_tile_overlayer_lowered  }
0x9e: {  	s20 =	simm.s32 $0x1BFF;
	s19 =	sshll.u32 s5, $0x1;
	s2 =	sadd.s32 s3, s17  }
0x9f: {  	s6 =	simm.s32 $0x0;
	s18 =	sshll.u32 s4, $0x1;
	s4 =	sadd.s32 s19, s2  }
0xa0: {  	[timem:s6], [sflag:s20] =	dma.local [hbm:s4], s18  }
0xa1: {  	_ =	swait.ge [sflag:s20], s18  }
0xa2: {  	s3 =	ssub.s32 $0x0, s18;
	[sflag:s20] =	ssyncset.done $0x0  }
0xa3: {  	[sflag:s20] =	ssyncadd.s32 s3;
	_ =	sdelay $0x1  }
0xa4: {  	s21 =	simm.s32 $0x1B8B  }
0xa5: {  	_ =	swait.ge [sflag:s21], $0x1  }
0xa6: {  	[sflag:s21] =	ssyncset.done $0x0  }
0xa7: {  	s23 =	simm.s32 $0x1B8E;
	s22 =	sld [smem:$0x3FFE];
	[sflag:s21] =	ssyncadd.s32 $0xFFFFFFFF  }
0xa8: {  	s24 =	simm.s32 $execute0_lowered;
	[smem:$0x3FD2] =	sst s23  }
0xa9: {  	s4 =	sshll.u32 s24, $0x1;
	_ =	strace $0x80000046;
	[dreg:$0x1] =	wrdreg $0xFFFFFFFF  }
0xaa: {  	s25 =	simm.s32 $_size_execute0_lowered;
	s2 =	sadd.s32 s2, s4;
	[dreg:$0x0] =	wrdreg $0x0  }
0xab: {  	s4 =	sshll.u32 s25, $0x1;
	[dreg:$0x2] =	wrdreg s2  }
0xac: {  	[dreg:$0x3] =	wrdreg s4  }
0xad: {  	[dreg:$0x4] =	wrdreg $0xC0  }
0xae: {  	_ =	task [dreg:s6], $0x5FFFF  }
0xaf: {  	[dreg:$0x1] =	wrdreg $0xFFFFFFFF  }
0xb0: {  	[dreg:$0x0] =	wrdreg $0x60  }
0xb1: {  	[dreg:$0x2] =	wrdreg s15  }
0xb2: {  	[dreg:$0x3] =	wrdreg s14  }
0xb3: {  	[dreg:$0x4] =	wrdreg s22  }
0xb4: {  	[dreg:$0x5] =	wrdreg $0x9  }
0xb5: {  	_ =	task.clear_ibuf [dreg:s6], $0x6FFFF;
	_ =	strace $0x90000046  }
0xb6: {  	s26 =	simm.s32 $0x9;
	_ =	strace $0x80000048  }
0xb7: {  	_ =	swait.ge [sflag:s26], $0x1  }
0xb8: {  	[sflag:s26] =	ssyncadd.s32 $0xFFFFFFFF  }
0xb9: {  	_ =	strace $0x90000048  }
0xba: {  	_ =	sfence  }
0xbb: {  	s28 =	sld [smem:$0x0];
	_ =	sdelay $0x1  }
0xbc: {  	s29 =	srdreg.scid  }
0xbd: {  	s30 =	sshll.u32 s29, $0xD;
	s31 =	sshrl.u32 s29, $0x2  }
0xbe: {  	s1 =	sand.u32 $0x1, s29;
	s2 =	sand.u32 $0x4000, s30;
	s0 =	sadd.s32 s31, s28  }
0xbf: {  	s1 =	sor.u32 s2, s1;
	s0 =	sshll.u32 s0, $0x11  }
0xc0: {  	s0 =	sor.u32 s0, s1  }
0xc1: {  	s0 =	sadd.s32 $0x8F2B, s0  }
0xc2: {  	[sflag:s0] =	ssyncadd.remote.s32 $0x1  }
0xc3: {  	_ =	sfence.sel $0xFFFF  }
0xc4: {  	[dreg:$0x0] =	wrdreg $0xFFFFFFFF;
	(pc) =	sbr.abs _section_cstart, $3  }
0xc5: {  	[dreg:$0x1] =	wrdreg $0xFFFFFFFF  }
0xc6: {  	_ =	task.clear_ibuf [dreg:s6], $0x2FFFF;
	_ =	strace $0x9FFFFFFF  }
0xc7: {  	(tm) =	ssettm $0x7FFFFFFF  }
tec
execute0_lowered:
.L_overlay_start_1:
0x0: {  	(tag) =	ssettag $0x1  }
0x1: {  	s3 =	rddreg [dreg:$0x0]  }
0x2: {  	s2 =	rddreg [dreg:$0x1]  }
0x3: {  	s4 =	rddreg [dreg:$0x2];
	s10 =	simm.s32 $0x0;
	v0 =	vlaneseq.u32  }
0x4: {  	s0 =	rddreg [dreg:$0x3];
	s1 =	stileid.u32;
	v1 =	vmul.u32 $0x80, v0;
	v0 =	vmov s10  }
0x5: {  	[smem:$0x7FF] =	sst s10;
	s5 =	sshll.u32 s1, $0xC;
	v0 =	vshll.u32 v0, $0x7  }
0x6: {  	s30 =	simm.s32 $0x1;
	_ =	strace $0x80000047;
	s3 =	sadd.s32 s3, s5;
	v0 =	vor.u32 v1, v0  }
0x7: {  	[tilespmem:s10], [sflag:$0x1] =	stream.linear.gather [hbm4b:s3+s10], $0x8000, $0x38;
	v2 =	vor.u32 $0x1, v0;
	[tilespmem:$0xA500] =	vst v63  }
0x8: {  	_ =	swait.ge [sflag:s30], $0x8000;
	v3 =	vor.u32 $0x2, v0  }
0x9: {  	v4 =	vor.u32 $0x3, v0;
	[sflag:s30] =	ssyncset.done $0x0  }
0xa: {  	v5 =	vor.u32 $0x4, v0;
	[sflag:s30] =	ssyncadd.s32 $0xFFFF8000  }
0xb: {  	v6 =	vor.u32 $0x5, v0;
	v7 =	vld.idx.msk [tilespmem:v0+s10+$0x0], $0xffff  }
0xc: {  	v8 =	vor.u32 $0x6, v0;
	v2 =	vld.idx.msk [tilespmem:v2+s10+$0x0], $0xffff  }
0xd: {  	v0 =	vor.u32 $0x7, v0;
	v3 =	vld.idx.msk [tilespmem:v3+s10+$0x0], $0xffff  }
0xe: {  	v4 =	vld.idx.msk [tilespmem:v4+s10+$0x0], $0xffff  }
0xf: {  	v5 =	vld.idx.msk [tilespmem:v5+s10+$0x0], $0xffff  }
0x10: {  	v6 =	vld.idx.msk [tilespmem:v6+s10+$0x0], $0xffff  }
0x11: {  	v8 =	vld.idx.msk [tilespmem:v8+s10+$0x0], $0xffff;
	v9 =	vmax.f32 v7, v2  }
0x12: {  	v0 =	vld.idx.msk [tilespmem:v0+s10+$0x0], $0xffff;
	v9 =	vmax.f32 v9, v3  }
0x13: {  	v9 =	vmax.f32 v9, v4  }
0x14: {  	v9 =	vmax.f32 v9, v5  }
0x15: {  	v9 =	vmax.f32 v9, v6  }
0x16: {  	v9 =	vmax.f32 v9, v8  }
0x17: {  	v9 =	vmax.f32 v9, v0  }
0x18: {  	v7 =	vsub.f32 v7, v9  }
0x19: {  	v2 =	vsub.f32 v2, v9  }
0x1a: {  	v7 =	vmul.f32 $1.442695020e+00, v7  }
0x1b: {  	v3 =	vsub.f32 v3, v9;
	v2 =	vmul.f32 $1.442695020e+00, v2  }
0x1c: {  	(erf) = vpow2.f32 v7  }
0x1d: {  	v3 =	vmul.f32 $1.442695020e+00, v3;
	(erf) = vpow2.f32 v2  }
0x1e: {  	v4 =	vsub.f32 v4, v9  }
0x1f: {  	(erf) = vpow2.f32 v3;
	v3 =	vsub.f32 v6, v9  }
0x20: {  	v4 =	vmul.f32 $1.442695020e+00, v4;
	v2 =	vsub.f32 v5, v9  }
0x21: {  	v3 =	vmul.f32 $1.442695020e+00, v3  }
0x22: {  	v2 =	vmul.f32 $1.442695020e+00, v2;
	(erf) = vpow2.f32 v4;
	v4 =	vsub.f32 v8, v9;
	_ =	sdelay $0x1  }
0x23: {  	(erf) = vpow2.f32 v2  }
0x24: {  	v2 =	vmul.f32 $1.442695020e+00, v4;
	(erf) = vpow2.f32 v3;
	v3 =	vpop (erf)  }
0x25: {  	v0 =	vsub.f32 v0, v9;
	v4 =	vpop (erf)  }
0x26: {  	(erf) = vpow2.f32 v2;
	v2 =	vadd.f32 v4, v3  }
0x27: {  	v0 =	vmul.f32 $1.442695020e+00, v0  }
0x28: {  	v5 =	vpop (erf)  }
0x29: {  	(erf) = vpow2.f32 v0;
	v0 =	vadd.f32 v2, v5  }
0x2a: {  	v2 =	vpop (erf)  }
0x2b: {  	v0 =	vadd.f32 v0, v2  }
0x2c: {  	v6 =	vpop (erf)  }
0x2d: {  	v0 =	vadd.f32 v0, v6  }
0x2e: {  	v7 =	vpop (erf)  }
0x2f: {  	v0 =	vadd.f32 v0, v7  }
0x30: {  	v8 =	vpop (erf)  }
0x31: {  	v0 =	vadd.f32 v0, v8  }
0x32: {  	v9 =	vpop (erf)  }
0x33: {  	v0 =	vadd.f32 v0, v9;
	_ =	sdelay $0x1  }
0x34: {  	(erf) = vrcp.f32 v0;
	_ =	sdelay $0x8  }
0x35: {  	v10 =	vpop (erf)  }
0x36: {  	v3 =	vmul.f32 v10, v3;
	v4 =	vmul.f32 v10, v4;
	_ =	sdelay $0x1  }
0x37: {  	v5 =	vmul.f32 v10, v5;
	vm0 =	vgt.f32 v4, v3  }
0x38: {  	v0 =	vsel vm0, v4, v3  }
0x39: {  	v2 =	vmul.f32 v10, v2;
	vm1 =	vgt.f32 v5, v0  }
0x3a: {  	v0 =	vsel vm1, v5, v0  }
0x3b: {  	v6 =	vmul.f32 v10, v6;
	vm2 =	vgt.f32 v2, v0  }
0x3c: {  	v11 =	vsel vm2, v2, v0  }
0x3d: {  	v12 =	vmul.f32 v10, v7;
	v0 =	vimm.s32 $0x0;
	vm3 =	vgt.f32 v6, v11  }
0x3e: {  	v7 =	vsel vm0, $0x1, v0;
	v11 =	vsel vm3, v6, v11  }
0x3f: {  	v17 =	vmul.f32 v10, v8;
	v7 =	vsel vm1, $0x2, v7;
	vm0 =	vgt.f32 v12, v11  }
0x40: {  	v7 =	vsel vm2, $0x3, v7;
	v8 =	vsel vm0, v12, v11  }
0x41: {  	v20 =	vmul.f32 v10, v9;
	v7 =	vsel vm3, $0x4, v7;
	vm1 =	vgt.f32 v17, v8  }
0x42: {  	v7 =	vsel vm0, $0x5, v7;
	v8 =	vsel vm1, v17, v8  }
0x43: {  	vm9 =	vmmov $0x1;
	v7 =	vsel vm1, $0x6, v7;
	vm3 =	vgt.f32 v20, v8  }
0x44: {  	vm2 =	vgt.f32 v3, $-Inf;
	vm0 =	vlt.f32 v3, $-Inf;
	v21 =	vsel vm3, $0x7, v7  }
0x45: {  	vm4 =	vcmask $0xF0C;
	vm0 =	vmor vm2, vm0;
	vm2 =	vne.s32 v21, $0x0  }
0x46: {  	vm5 =	vcmask $0x714;
	vm11 =	vcmask $0x1720;
	vm0 =	vmand vm0, vm2  }
0x47: {  	vm12 =	vcmask $0x1B20;
	v7 =	vimm.s32 $0x0;
	v3 =	vnsel vm0, $0xFF800000, v3  }
0x48: {  	vm8 =	veq.s32 v21, $0x2;
	vm0 =	vne.s32 v21, $0x1;
	vm2 =	vgt.f32 v4, v3  }
0x49: {  	vm6 =	vmand vm0, vm2;
	vm0 =	vmor vm5, vm4;
	vm5 =	vne.s32 v21, $0x3  }
0x4a: {  	s31 =	simm.s32 $0x10;
	v7 =	vsel vm0, $0xFFFFFFFF, v7;
	v3 =	vsel vm6, v4, v3;
	vm0 =	vne.s32 v21, $0x2  }
0x4b: {  	v4 =	vsel vm3, $0x1, v0;
	[tilespmem:$0x1FFE0] =	vst v7;
	vm2 =	vgt.f32 v5, v3;
	v7 =	vmov s31  }
0x4c: {  	vm4 =	vmand vm0, vm2;
	vm0 =	veq.s32 v21, $0x0;
	vm2 =	veq.s32 v21, $0x3  }
0x4d: {  	(xrf0) =	vadd.scan.msk.s32 $0xffff, v4;
	v9 =	vshll.u32 v7, $0x7;
	v3 =	vsel vm4, v5, v3;
	v5 =	vsel vm0, $0x1, v0  }
0x4e: {  	v7 =	vsel vm3, v20, v8;
	vm3 =	vmneg vm3;
	v4 =	vsel vm2, $0x1, v0;
	(xrf0) =	vadd.scan.msk.s32 $0xffff, v5  }
0x4f: {  	vm2 =	veq.s32 v21, $0x4;
	v16 =	vor.u32 v1, v9;
	vm1 =	vmand vm3, vm1  }
0x50: {  	vm7 =	vgt.f32 v2, v3;
	v5 =	vsel vm8, $0x1, v0;
	v15 =	vor.u32 $0x1, v16  }
0x51: {  	v9 =	vor.u32 $0x2, v16;
	v8 =	vor.u32 $0x3, v16;
	vm0 =	vmand vm5, vm7  }
0x52: {  	v13 =	vor.u32 $0x4, v16;
	(xrf0) =	vadd.scan.msk.s32 $0xffff, v4;
	v2 =	vsel vm0, v2, v3;
	v3 =	vsel vm2, $0x1, v0  }
0x53: {  	vm7 =	veq.s32 v21, $0x5;
	vm2 =	vne.s32 v21, $0x4;
	vm5 =	vgt.f32 v6, v2;
	v4, _, _ =	vpop (xrf0);
	(xrf0) =	vadd.scan.msk.s32 $0xffff, v3  }
0x54: {  	v10 =	vsel vm7, $0x1, v0;
	vm5 =	vmand vm2, vm5;
	vm2 =	veq.s32 v21, $0x1;
	v11, _, _ =	vpop (xrf0);
	(xrf0) =	vadd.scan.msk.s32 $0xffff, v5  }
0x55: {  	v3 =	vsel vm6, $0x1, v0;
	v2 =	vsel vm5, v6, v2;
	v6 =	vsel vm2, $0x1, v0;
	(xrf0) =	vadd.scan.msk.s32 $0xffff, v10  }
0x56: {  	vm2 =	vne.s32 v21, $0x5;
	vm6 =	vgt.f32 v12, v2;
	(xrf0) =	vadd.scan.msk.s32 $0xffff, v6;
	v6 =	vimm.s32 $0x0  }
0x57: {  	v14 =	vor.u32 $0x6, v16;
	vm2 =	vmand vm2, vm6;
	v6 =	vsel vm9, $0xFFFFFFFF, v6  }
0x58: {  	v22 =	vsel vm1, $0x1, v0;
	v3 =	vsel vm4, $0x2, v3;
	v2 =	vsel vm2, v12, v2  }
0x59: {  	vm4 =	vne.s32 v21, $0x6;
	v3 =	vsel vm0, $0x3, v3;
	v18, _, _ =	vpop (xrf0);
	vm0 =	vgt.f32 v17, v2  }
0x5a: {  	v3 =	vsel vm5, $0x4, v3;
	v5 =	vbroadcast v11, $0xF;
	[tilespmem:$0x1FFF0] =	vst v6;
	vm8 =	vmand vm4, vm0;
	v6, _, _ =	vpop (xrf0)  }
0x5b: {  	v10 =	vor.u32 $0x5, v16;
	v11 =	vor.u32 $0x7, v16;
	v2 =	vsel vm8, v17, v2;
	v12, _, _ =	vpop (xrf0)  }
0x5c: {  	v5 =	vadd.s32 v0, v5;
	vm0 =	vgt.f32 v20, v2;
	v19 =	vbroadcast v12, $0xF  }
0x5d: {  	s6 =	simm.s32 $0x8000;
	v3 =	vsel vm2, $0x5, v3;
	v5 =	vsel vm9, v5, v0;
	vm9 =	vmand vm0, vm3  }
0x5e: {  	[tilespmem:s6+$0x0] =	vst v21;
	v3 =	vsel vm8, $0x6, v3;
	v12 =	vbroadcast v18, $0xF;
	v21 =	vsel vm9, v20, v2  }
0x5f: {  	s8 =	simm.s32 $0x8100;
	s12 =	simm.s32 $0x8200;
	s11 =	simm.s32 $0x8300;
	v17, _, _ =	vpop (xrf0);
	v20 =	vsel vm9, $0x7, v3;
	vm4 =	vmneg vm9;
	v3 =	vimm.s32 $0x0  }
0x60: {  	s15 =	simm.s32 $0x20;
	s9 =	simm.s32 $0x8210;
	s7 =	simm.s32 $0x8310;
	(xrf0) =	vadd.scan.msk.s32 $0xffff, v22;
	v2 =	vimm.s32 $0x0;
	vm3 =	veq.s32 v20, $0x0;
	v18 =	vadd.s32 v19, v0;
	v19, _, _ =	vpop (xrf0)  }
0x61: {  	s5 =	sadd.s32 $0x1E00, s4;
	s3 =	sadd.s32 $0xE00, s4;
	s4 =	sadd.s32 $0x2000, s4;
	vm1 =	veq.s32 v20, $0x1;
	[tilespmem:s8+$0x0] =	vst v20;
	vm5 =	veq.s32 v20, $0x5;
	v19 =	vbroadcast v19, $0xF  }
.LBB2_1:
0x62: {  	[tilespmem:s12+$0x0] =	vst v7;
	vm2 =	veq.s32 v20, $0x4  }
0x63: {  	vm0 =	veq.s32 v20, $0x3;
	[tilespmem:s11+$0x0] =	vst v21;
	v21 =	vsel vm2, $0x1, v0  }
0x64: {  	v7 =	vsel vm5, $0x1, v0;
	vm5 =	veq.s32 v20, $0x2;
	v20 =	vsel vm0, $0x1, v0;
	(xrf0) =	vadd.scan.msk.s32 $0xffff, v21  }
0x65: {  	v21 =	vsel vm3, $0x1, v0;
	(xrf0) =	vadd.scan.msk.s32 $0xffff, v20  }
0x66: {  	(xrf0) =	vadd.scan.msk.s32 $0xffff, v21;
	v21 =	vld [tilespmem:$0x1FFE0]  }
0x67: {  	v16 =	vld.idx.msk [tilespmem:v16+s10+$0x0], $0xffff  }
0x68: {  	v3 =	vadd.s32 v19, v3;
	vm0 =	vmand vm4, vm8;
	v15 =	vld.idx.msk [tilespmem:v15+s10+$0x0], $0xffff  }
0x69: {  	v22 =	vsel vm0, $0x1, v0;
	v9 =	vld.idx.msk [tilespmem:v9+s10+$0x0], $0xffff;
	vm0 =	vcmask $0x30C;
	v20 =	vsel vm1, $0x1, v0  }
0x6a: {  	v8 =	vld.idx.msk [tilespmem:v8+s10+$0x0], $0xffff;
	v3 =	vsel vm0, v5, v3;
	v5 =	vbroadcast v17, $0xF;
	v17, _, _ =	vpop (xrf0);
	(xrf0) =	vadd.scan.msk.s32 $0xffff, v20  }
0x6b: {  	v6 =	vbroadcast v6, $0xF;
	v13 =	vld.idx.msk [tilespmem:v13+s10+$0x0], $0xffff;
	v20 =	vsel vm5, $0x1, v0;
	(xrf0) =	vadd.scan.msk.s32 $0xffff, v7;
	vm1 =	vnez.u8 v21  }
0x6c: {  	vm2 =	vcmask $0xB14;
	v12 =	vadd.s32 v12, v3;
	(xrf0) =	vadd.scan.msk.s32 $0xffff, v20;
	v20 =	vld [tilespmem:$0x1FFF0];
	v18 =	vsel vm1, v3, v18  }
0x6d: {  	vm3 =	vcmask $0xF18;
	v3 =	vadd.s32 v6, v3;
	v6 =	vld.idx.msk [tilespmem:v10+s10+$0x0], $0xffff;
	v12 =	vsel vm2, v18, v12  }
0x6e: {  	v7 =	vld.idx.msk [tilespmem:v14+s10+$0x0], $0xffff;
	v3 =	vsel vm3, v12, v3;
	v5 =	vadd.s32 v5, v12;
	v12 =	vmax.f32 v16, v15  }
0x6f: {  	v4 =	vbroadcast v4, $0xF;
	v11 =	vld.idx.msk [tilespmem:v11+s10+$0x0], $0xffff;
	v12 =	vmax.f32 v12, v9  }
0x70: {  	v19 =	vsel vm9, $0x1, v0;
	v17 =	vbroadcast v17, $0xF;
	v10, _, _ =	vpop (xrf0);
	v12 =	vmax.f32 v12, v8  }
0x71: {  	vm4 =	vcmask $0x131C;
	v14, _, _ =	vpop (xrf0);
	v10 =	vbroadcast v10, $0xF;
	v12 =	vmax.f32 v12, v13  }
0x72: {  	vm9 =	vnez.u8 v20;
	v18 =	vsel vm4, v3, v5;
	v5, _, _ =	vpop (xrf0);
	v12 =	vmax.f32 v12, v6  }
0x73: {  	v3 =	vadd.s32 v17, v3;
	v5 =	vbroadcast v5, $0xF;
	v12 =	vmax.f32 v12, v7  }
0x74: {  	v3 =	vsel vm11, v18, v3;
	v4 =	vadd.s32 v4, v18;
	v17, _, _ =	vpop (xrf0);
	v12 =	vmax.f32 v12, v11  }
0x75: {  	(xrf0) =	vadd.scan.msk.s32 $0xffff, v22;
	v17 =	vbroadcast v17, $0xF;
	v18, _, _ =	vpop (xrf0);
	v5 =	vadd.s32 v2, v5;
	v16 =	vsub.f32 v16, v12  }
0x76: {  	(xrf0) =	vadd.scan.msk.s32 $0xffff, v19;
	v14 =	vbroadcast v14, $0xF;
	v19, _, _ =	vpop (xrf0);
	v5 =	vsel vm9, v5, v2;
	v15 =	vsub.f32 v15, v12  }
0x77: {  	v17 =	vadd.s32 v17, v2;
	v19 =	vbroadcast v19, $0xF;
	v16 =	vmul.f32 $1.442695020e+00, v16  }
0x78: {  	v9 =	vsub.f32 v9, v12;
	v8 =	vsub.f32 v8, v12;
	v15 =	vmul.f32 $1.442695020e+00, v15  }
0x79: {  	v13 =	vsub.f32 v13, v12;
	v6 =	vsub.f32 v6, v12;
	(erf) = vpow2.f32 v16  }
0x7a: {  	v5 =	vsel vm0, v5, v17;
	v9 =	vmul.f32 $1.442695020e+00, v9;
	(erf) = vpow2.f32 v15  }
0x7b: {  	v7 =	vsub.f32 v7, v12;
	v14 =	vadd.s32 v14, v5;
	v2 =	vadd.s32 v19, v2  }
0x7c: {  	v8 =	vmul.f32 $1.442695020e+00, v8;
	v2 =	vsel vm1, v5, v2;
	(erf) = vpow2.f32 v9  }
0x7d: {  	v10 =	vadd.s32 v10, v5;
	v6 =	vmul.f32 $1.442695020e+00, v6;
	v2 =	vsel vm2, v2, v14  }
0x7e: {  	v20, _, _ =	vpop (xrf0);
	v9 =	vsel vm3, v2, v10;
	v10 =	vmul.f32 $1.442695020e+00, v13;
	(erf) = vpow2.f32 v8  }
0x7f: {  	v18 =	vbroadcast v18, $0xF;
	v17 =	vbroadcast v20, $0xF  }
0x80: {  	v3 =	vsel vm12, v3, v4;
	v20, _, _ =	vpop (xrf0);
	v4 =	vmul.f32 $1.442695020e+00, v7;
	(erf) = vpow2.f32 v10  }
0x81: {  	v5 =	vbroadcast v20, $0xF;
	v2 =	vadd.s32 v18, v2;
	v8 =	vsub.f32 v11, v12  }
0x82: {  	v13 =	vadd.s32 v17, v9;
	v2 =	vsel vm4, v9, v2;
	(erf) = vpow2.f32 v6;
	v6 =	vpop (erf)  }
0x83: {  	v9 =	vsel vm11, v2, v13;
	v2 =	vadd.s32 v5, v2;
	v5 =	vmul.f32 $1.442695020e+00, v8;
	v7 =	vpop (erf)  }
0x84: {  	(erf) = vpow2.f32 v4;
	v4 =	vadd.f32 v7, v6  }
0x85: {  	v8 =	vpop (erf)  }
0x86: {  	(erf) = vpow2.f32 v5;
	v4 =	vadd.f32 v4, v8  }
0x87: {  	v5 =	vpop (erf)  }
0x88: {  	v4 =	vadd.f32 v4, v5  }
0x89: {  	v2 =	vsel vm12, v9, v2;
	v9 =	vpop (erf)  }
0x8a: {  	v4 =	vadd.f32 v4, v9  }
0x8b: {  	v10 =	vpop (erf)  }
0x8c: {  	v4 =	vadd.f32 v4, v10  }
0x8d: {  	v11 =	vpop (erf)  }
0x8e: {  	v4 =	vadd.f32 v4, v11  }
0x8f: {  	v12 =	vpop (erf)  }
0x90: {  	v4 =	vadd.f32 v4, v12;
	_ =	sdelay $0x1  }
0x91: {  	(erf) = vrcp.f32 v4;
	_ =	sdelay $0x8  }
0x92: {  	v4 =	vpop (erf)  }
0x93: {  	v6 =	vmul.f32 v4, v6;
	v13 =	vmul.f32 v4, v7;
	_ =	sdelay $0x1  }
0x94: {  	v14 =	vmul.f32 v4, v8;
	vm1 =	vgt.f32 v13, v6  }
0x95: {  	vm0 =	vlt.f32 v6, $-Inf;
	vm2 =	vgt.f32 v6, $-Inf;
	v7 =	vsel vm1, v13, v6  }
0x96: {  	v5 =	vmul.f32 v4, v5;
	vm0 =	vmor vm2, vm0;
	vm2 =	vgt.f32 v14, v7  }
0x97: {  	v7 =	vsel vm2, v14, v7  }
0x98: {  	v17 =	vmul.f32 v4, v9;
	vm3 =	vgt.f32 v5, v7  }
0x99: {  	v7 =	vsel vm3, v5, v7  }
0x9a: {  	v18 =	vmul.f32 v4, v10;
	v8 =	vsel vm1, $0x1, v0;
	vm1 =	vgt.f32 v17, v7  }
0x9b: {  	v7 =	vsel vm1, v17, v7  }
0x9c: {  	v19 =	vmul.f32 v4, v11;
	v8 =	vsel vm2, $0x2, v8;
	vm2 =	vgt.f32 v18, v7  }
0x9d: {  	v8 =	vsel vm3, $0x3, v8;
	v7 =	vsel vm2, v18, v7  }
0x9e: {  	v20 =	vmul.f32 v4, v12;
	v4 =	vsel vm1, $0x4, v8;
	vm1 =	vgt.f32 v19, v7  }
0x9f: {  	v4 =	vsel vm2, $0x5, v4;
	v7 =	vsel vm1, v19, v7  }
0xa0: {  	v4 =	vsel vm1, $0x6, v4;
	vm3 =	vgt.f32 v20, v7  }
0xa1: {  	v12 =	vsel vm3, $0x7, v4  }
0xa2: {  	v7 =	vsel vm3, v20, v7;
	v4 =	vsel vm3, $0x1, v0;
	vm2 =	vne.s32 v12, $0x0  }
0xa3: {  	vm3 =	vmneg vm3;
	vm4 =	veq.s32 v12, $0x0;
	vm0 =	vmand vm0, vm2  }
0xa4: {  	s14 =	smov.u32 s15;
	vm5 =	veq.s32 v12, $0x3;
	(xrf0) =	vadd.scan.msk.s32 $0xffff, v4;
	v8 =	vsel vm4, $0x1, v0;
	v4 =	vnsel vm0, $0xFF800000, v6  }
0xa5: {  	vm0 =	vne.s32 v12, $0x1;
	v6 =	vmov s14;
	vm6 =	vgt.f32 v13, v4  }
0xa6: {  	v9 =	vsel vm5, $0x1, v0;
	(xrf0) =	vadd.scan.msk.s32 $0xffff, v8;
	v6 =	vshll.u32 v6, $0x7;
	vm5 =	vmand vm0, vm6  }
0xa7: {  	vm1 =	vmand vm3, vm1;
	v16 =	vor.u32 v1, v6;
	v6 =	vsel vm5, v13, v4  }
0xa8: {  	(xrf0) =	vadd.scan.msk.s32 $0xffff, v9;
	vm6 =	veq.s32 v12, $0x4;
	vm0 =	vne.s32 v12, $0x2;
	vm7 =	vgt.f32 v14, v6  }
0xa9: {  	vm4 =	veq.s32 v12, $0x1;
	v10 =	vsel vm6, $0x1, v0;
	vm0 =	vmand vm0, vm7  }
0xaa: {  	vm2 =	veq.s32 v12, $0x2;
	v24 =	vsel vm1, $0x1, v0;
	v4, _, _ =	vpop (xrf0);
	(xrf0) =	vadd.scan.msk.s32 $0xffff, v10;
	v6 =	vsel vm0, v14, v6  }
0xab: {  	v11 =	vsel vm2, $0x1, v0;
	vm6 =	vne.s32 v12, $0x3;
	vm8 =	vgt.f32 v5, v6  }
0xac: {  	v23 =	vsel vm4, $0x1, v0;
	v15 =	vor.u32 $0x1, v16;
	v14, _, _ =	vpop (xrf0);
	vm2 =	vmand vm6, vm8  }
0xad: {  	v9 =	vor.u32 $0x2, v16;
	v21 =	vbroadcast v14, $0xF;
	v6 =	vsel vm2, v5, v6  }
0xae: {  	vm7 =	veq.s32 v12, $0x5;
	v22, _, _ =	vpop (xrf0);
	(xrf0) =	vadd.scan.msk.s32 $0xffff, v11;
	vm6 =	vne.s32 v12, $0x4;
	vm8 =	vgt.f32 v17, v6  }
0xaf: {  	v5 =	vadd.s32 v3, v21;
	v21 =	vsel vm7, $0x1, v0;
	vm6 =	vmand vm6, vm8  }
0xb0: {  	v8 =	vor.u32 $0x3, v16;
	v13 =	vor.u32 $0x4, v16;
	v17 =	vsel vm6, v17, v6;
	v6, _, _ =	vpop (xrf0);
	(xrf0) =	vadd.scan.msk.s32 $0xffff, v21  }
0xb1: {  	v10 =	vor.u32 $0x5, v16;
	vm7 =	vne.s32 v12, $0x5;
	vm4 =	vgt.f32 v18, v17;
	(xrf0) =	vadd.scan.msk.s32 $0xffff, v23  }
0xb2: {  	v14 =	vor.u32 $0x6, v16;
	v21 =	vsel vm5, $0x1, v0;
	vm4 =	vmand vm7, vm4  }
0xb3: {  	s6 =	sadd.s32 $0x10, s6;
	v11 =	vor.u32 $0x7, v16;
	v21 =	vsel vm0, $0x2, v21;
	v17 =	vsel vm4, v18, v17  }
0xb4: {  	[tilespmem:s6+$0x0] =	vst v12;
	vm0 =	vne.s32 v12, $0x6;
	v12, _, _ =	vpop (xrf0);
	v18 =	vsel vm2, $0x3, v21;
	vm2 =	vgt.f32 v19, v17  }
0xb5: {  	p0 =	sne.s32 s15, $0xF0;
	v5 =	vsel vm9, v5, v3;
	v21 =	vbroadcast v12, $0xF;
	vm8 =	vmand vm0, vm2  }
.Ltmp0:
0xb6: {  	v12 =	vbroadcast v22, $0xF;
	v18 =	vsel vm6, $0x4, v18;
	v23 =	vsel vm8, v19, v17;
	v17, _, _ =	vpop (xrf0);
	(pc) =	sbr.rel @p0 .LBB2_1-.Ltmp0, $4  }
0xb7: {  	v22 =	vsel vm4, $0x5, v18;
	v18 =	vadd.s32 v21, v3;
	vm0 =	vgt.f32 v20, v23;
	v19, _, _ =	vpop (xrf0)  }
0xb8: {  	s8 =	sadd.s32 $0x10, s8;
	v22 =	vsel vm8, $0x6, v22;
	vm9 =	vmand vm0, vm3;
	v19 =	vbroadcast v19, $0xF  }
0xb9: {  	s13 =	sadd.s32 $0x10, s15;
	s12 =	smov.u32 s9;
	s9 =	sadd.s32 $0x10, s9;
	(xrf0) =	vadd.scan.msk.s32 $0xffff, v24;
	v21 =	vsel vm9, v20, v23;
	v20 =	vsel vm9, $0x7, v22;
	vm4 =	vmneg vm9  }
0xba: {  	s11 =	smov.u32 s7;
	s7 =	sadd.s32 $0x10, s7;
	s15 =	smov.u32 s13;
	[tilespmem:s8+$0x0] =	vst v20;
	vm3 =	veq.s32 v20, $0x0;
	vm1 =	veq.s32 v20, $0x1;
	vm5 =	veq.s32 v20, $0x5  }
0xbb: {  	_ =	sdelay $0x1  }
0xbc: {  	[tilespmem:s12+$0x0] =	vst v7  }
0xbd: {  	[tilespmem:s11+$0x0] =	vst v21  }
0xbe: {  	v1 =	vld.idx.msk [tilespmem:v16+s10+$0x0], $0xffff  }
0xbf: {  	v7 =	vld.idx.msk [tilespmem:v15+s10+$0x0], $0xffff  }
0xc0: {  	v9 =	vld.idx.msk [tilespmem:v9+s10+$0x0], $0xffff  }
0xc1: {  	v8 =	vld.idx.msk [tilespmem:v8+s10+$0x0], $0xffff  }
0xc2: {  	v13 =	vld.idx.msk [tilespmem:v13+s10+$0x0], $0xffff  }
0xc3: {  	v10 =	vld.idx.msk [tilespmem:v10+s10+$0x0], $0xffff  }
0xc4: {  	v14 =	vld.idx.msk [tilespmem:v14+s10+$0x0], $0xffff;
	v15 =	vmax.f32 v1, v7  }
0xc5: {  	v11 =	vld.idx.msk [tilespmem:v11+s10+$0x0], $0xffff;
	v15 =	vmax.f32 v15, v9  }
0xc6: {  	v15 =	vmax.f32 v15, v8  }
0xc7: {  	v15 =	vmax.f32 v15, v13  }
0xc8: {  	v15 =	vmax.f32 v15, v10  }
0xc9: {  	v15 =	vmax.f32 v15, v14  }
0xca: {  	v15 =	vmax.f32 v15, v11  }
0xcb: {  	v1 =	vsub.f32 v1, v15  }
0xcc: {  	v7 =	vsub.f32 v7, v15  }
0xcd: {  	v1 =	vmul.f32 $1.442695020e+00, v1  }
0xce: {  	v9 =	vsub.f32 v9, v15;
	v7 =	vmul.f32 $1.442695020e+00, v7  }
0xcf: {  	(erf) = vpow2.f32 v1  }
0xd0: {  	v1 =	vsub.f32 v8, v15;
	v8 =	vmul.f32 $1.442695020e+00, v9;
	(erf) = vpow2.f32 v7;
	_ =	sdelay $0x1  }
0xd1: {  	v1 =	vmul.f32 $1.442695020e+00, v1;
	(erf) = vpow2.f32 v8;
	v8 =	vsub.f32 v10, v15  }
0xd2: {  	v7 =	vsub.f32 v13, v15  }
0xd3: {  	(erf) = vpow2.f32 v1;
	v1 =	vmul.f32 $1.442695020e+00, v8  }
0xd4: {  	v7 =	vmul.f32 $1.442695020e+00, v7  }
0xd5: {  	v8 =	vsub.f32 v14, v15  }
0xd6: {  	(erf) = vpow2.f32 v7  }
0xd7: {  	v8 =	vmul.f32 $1.442695020e+00, v8;
	(erf) = vpow2.f32 v1;
	v1 =	vpop (erf)  }
0xd8: {  	v7 =	vsub.f32 v11, v15;
	v9 =	vpop (erf)  }
0xd9: {  	(erf) = vpow2.f32 v8;
	v8 =	vadd.f32 v9, v1  }
0xda: {  	v7 =	vmul.f32 $1.442695020e+00, v7  }
0xdb: {  	v10 =	vpop (erf)  }
0xdc: {  	(erf) = vpow2.f32 v7;
	v7 =	vadd.f32 v8, v10  }
0xdd: {  	v8 =	vpop (erf)  }
0xde: {  	v7 =	vadd.f32 v7, v8  }
0xdf: {  	v11 =	vpop (erf)  }
0xe0: {  	v7 =	vadd.f32 v7, v11  }
0xe1: {  	v13 =	vpop (erf)  }
0xe2: {  	v7 =	vadd.f32 v7, v13  }
0xe3: {  	v14 =	vpop (erf)  }
0xe4: {  	v7 =	vadd.f32 v7, v14  }
0xe5: {  	v15 =	vpop (erf)  }
0xe6: {  	v7 =	vadd.f32 v7, v15;
	_ =	sdelay $0x1  }
0xe7: {  	(erf) = vrcp.f32 v7;
	_ =	sdelay $0x1  }
0xe8: {  	v22 =	vld [tilespmem:$0x1FFE0]  }
0xe9: {  	vm0 =	veq.s32 v20, $0x3;
	vm2 =	veq.s32 v20, $0x4  }
0xea: {  	v3 =	vadd.s32 v19, v3;
	v19 =	vsel vm9, $0x1, v0;
	v6 =	vbroadcast v6, $0xF  }
0xeb: {  	vm6 =	vcmask $0x30C;
	vm15 =	vcmask $0xB14;
	vm7 =	vcmask $0x131C  }
0xec: {  	v21 =	vsel vm3, $0x1, v0;
	v3 =	vsel vm6, v5, v3;
	v16 =	vsel vm0, $0x1, v0  }
0xed: {  	vm0 =	vmand vm4, vm8;
	v12 =	vadd.s32 v12, v3;
	vm14 =	vnez.u8 v22  }
0xee: {  	v7 =	vsel vm5, $0x1, v0;
	vm5 =	veq.s32 v20, $0x2;
	v20 =	vsel vm2, $0x1, v0  }
0xef: {  	v5 =	vsel vm0, $0x1, v0;
	v18 =	vsel vm14, v3, v18;
	v3 =	vadd.s32 v6, v3;
	(xrf0) =	vadd.scan.msk.s32 $0xffff, v20;
	v22 =	vpop (erf)  }
0xf0: {  	v12 =	vsel vm15, v18, v12;
	(xrf0) =	vadd.scan.msk.s32 $0xffff, v16;
	v16, _, _ =	vpop (xrf0);
	v23 =	vmul.f32 v22, v1;
	v9 =	vmul.f32 v22, v9  }
0xf1: {  	v20 =	vsel vm1, $0x1, v0;
	v16 =	vbroadcast v16, $0xF;
	v1 =	vbroadcast v17, $0xF  }
0xf2: {  	(xrf0) =	vadd.scan.msk.s32 $0xffff, v21;
	v6 =	vmul.f32 v22, v10;
	v10 =	vsel vm5, $0x1, v0;
	vm0 =	vgt.f32 v9, v23  }
0xf3: {  	(xrf0) =	vadd.scan.msk.s32 $0xffff, v20;
	vm5 =	vcmask $0xF18;
	v8 =	vmul.f32 v22, v8;
	v17 =	vsel vm0, v9, v23  }
0xf4: {  	v3 =	vsel vm5, v12, v3;
	v1 =	vadd.s32 v1, v12;
	vm1 =	vgt.f32 v6, v17  }
0xf5: {  	v4 =	vbroadcast v4, $0xF;
	v1 =	vsel vm7, v3, v1;
	v17 =	vsel vm1, v6, v17  }
0xf6: {  	v11 =	vmul.f32 v22, v11;
	v12, _, _ =	vpop (xrf0);
	v3 =	vadd.s32 v16, v3;
	vm2 =	vgt.f32 v8, v17  }
0xf7: {  	v13 =	vmul.f32 v22, v13;
	v16, _, _ =	vpop (xrf0);
	v18 =	vsel vm11, v1, v3;
	v3 =	vsel vm2, v8, v17  }
0xf8: {  	v14 =	vmul.f32 v22, v14;
	(xrf0) =	vadd.scan.msk.s32 $0xffff, v7;
	v4 =	vadd.s32 v4, v1;
	v1, _, _ =	vpop (xrf0);
	vm3 =	vgt.f32 v11, v3  }
0xf9: {  	v7 =	vbroadcast v12, $0xF;
	v12 =	vsel vm0, $0x1, v0;
	v17, _, _ =	vpop (xrf0);
	(xrf0) =	vadd.scan.msk.s32 $0xffff, v10;
	v3 =	vsel vm3, v11, v3  }
0xfa: {  	v12 =	vsel vm1, $0x2, v12;
	v1 =	vbroadcast v1, $0xF;
	(xrf0) =	vadd.scan.msk.s32 $0xffff, v5;
	vm0 =	vgt.f32 v13, v3  }
0xfb: {  	v12 =	vsel vm2, $0x3, v12;
	v10 =	vbroadcast v17, $0xF;
	(xrf0) =	vadd.scan.msk.s32 $0xffff, v19;
	v19 =	vld [tilespmem:$0x1FFF0];
	v17 =	vsel vm0, v13, v3  }
0xfc: {  	v5 =	vsel vm3, $0x4, v12;
	v3 =	vmul.f32 v22, v15;
	vm1 =	vgt.f32 v14, v17  }
0xfd: {  	v12 =	vbroadcast v16, $0xF;
	v5 =	vsel vm0, $0x5, v5;
	v15 =	vsel vm1, v14, v17  }
0xfe: {  	v16 =	vadd.s32 v2, v1;
	v1 =	vsel vm1, $0x6, v5;
	vm3 =	vgt.f32 v3, v15  }
0xff: {  	vm2 =	vgt.f32 v23, $-Inf;
	vm0 =	vlt.f32 v23, $-Inf;
	v1 =	vsel vm3, $0x7, v1  }
0x100: {  	vm0 =	vmor vm2, vm0;
	v5, _, _ =	vpop (xrf0);
	vm13 =	vnez.u8 v19;
	vm2 =	vne.s32 v1, $0x0  }
0x101: {  	v10 =	vadd.s32 v10, v2;
	v17, _, _ =	vpop (xrf0);
	v16 =	vsel vm13, v16, v2;
	vm0 =	vmand vm0, vm2  }
0x102: {  	v10 =	vsel vm6, v16, v10;
	v16 =	vbroadcast v17, $0xF;
	v17 =	vnsel vm0, $0xFF800000, v23  }
0x103: {  	vm0 =	vne.s32 v1, $0x1;
	vm2 =	vgt.f32 v9, v17  }
0x104: {  	v5 =	vbroadcast v5, $0xF;
	v19, _, _ =	vpop (xrf0);
	vm9 =	veq.s32 v1, $0x1;
	vm0 =	vmand vm0, vm2  }
0x105: {  	v19 =	vbroadcast v19, $0xF;
	vm6 =	veq.s32 v1, $0x3;
	v9 =	vsel vm0, v9, v17  }
0x106: {  	v2 =	vadd.s32 v16, v2;
	vm2 =	vne.s32 v1, $0x2;
	vm4 =	vgt.f32 v6, v9  }
0x107: {  	v12 =	vadd.s32 v12, v10;
	v2 =	vsel vm14, v10, v2;
	vm2 =	vmand vm2, vm4  }
0x108: {  	v7 =	vadd.s32 v7, v10;
	v2 =	vsel vm15, v2, v12;
	v6 =	vsel vm2, v6, v9  }
0x109: {  	v10, _, _ =	vpop (xrf0);
	v7 =	vsel vm5, v2, v7;
	vm4 =	vne.s32 v1, $0x3;
	vm5 =	vgt.f32 v8, v6  }
0x10a: {  	v10 =	vbroadcast v10, $0xF;
	v2 =	vadd.s32 v5, v2;
	vm4 =	vmand vm4, vm5  }
0x10b: {  	v5 =	vadd.s32 v19, v7;
	v2 =	vsel vm7, v7, v2;
	v6 =	vsel vm4, v8, v6  }
0x10c: {  	v7 =	vsel vm3, $0x1, v0;
	vm7 =	vne.s32 v1, $0x4;
	vm8 =	vgt.f32 v11, v6  }
0x10d: {  	v9 =	vsel vm6, $0x1, v0;
	vm6 =	veq.s32 v1, $0x4;
	vm7 =	vmand vm7, vm8  }
0x10e: {  	v5 =	vsel vm11, v2, v5;
	(xrf0) =	vadd.scan.msk.s32 $0xffff, v7;
	v7 =	vsel vm6, $0x1, v0;
	v6 =	vsel vm7, v11, v6  }
0x10f: {  	vm5 =	veq.s32 v1, $0x0;
	vm8 =	vne.s32 v1, $0x5;
	vm10 =	vgt.f32 v13, v6  }
0x110: {  	vm6 =	veq.s32 v1, $0x5;
	v8 =	vsel vm5, $0x1, v0;
	vm8 =	vmand vm8, vm10  }
0x111: {  	vm5 =	veq.s32 v1, $0x2;
	(xrf0) =	vadd.scan.msk.s32 $0xffff, v8;
	v11 =	vsel vm0, $0x1, v0;
	v6 =	vsel vm8, v13, v6  }
0x112: {  	(xrf0) =	vadd.scan.msk.s32 $0xffff, v9;
	vm0 =	vne.s32 v1, $0x6;
	v9 =	vsel vm2, $0x2, v11;
	vm2 =	vgt.f32 v14, v6  }
0x113: {  	v8 =	vsel vm5, $0x1, v0;
	(xrf0) =	vadd.scan.msk.s32 $0xffff, v7;
	v9 =	vsel vm4, $0x3, v9;
	vm5 =	vmand vm0, vm2  }
0x114: {  	v7 =	vsel vm6, $0x1, v0;
	(xrf0) =	vadd.scan.msk.s32 $0xffff, v8;
	v9 =	vsel vm7, $0x4, v9;
	v6 =	vsel vm5, v14, v6  }
0x115: {  	(xrf0) =	vadd.scan.msk.s32 $0xffff, v7;
	v7 =	vsel vm8, $0x5, v9;
	vm0 =	vmneg vm3;
	vm2 =	vgt.f32 v3, v6  }
0x116: {  	v8 =	vsel vm9, $0x1, v0;
	v7 =	vsel vm5, $0x6, v7;
	vm4 =	vmand vm2, vm0  }
0x117: {  	v2 =	vadd.s32 v10, v2;
	v9, _, _ =	vpop (xrf0);
	(xrf0) =	vadd.scan.msk.s32 $0xffff, v8;
	vm0 =	vmand vm0, vm1;
	v7 =	vsel vm4, $0x7, v7  }
0x118: {  	v2 =	vsel vm12, v5, v2;
	v5, _, _ =	vpop (xrf0);
	v10 =	vsel vm0, $0x1, v0;
	vm0 =	veq.s32 v7, $0x4  }
0x119: {  	v8, _, _ =	vpop (xrf0);
	(xrf0) =	vadd.scan.msk.s32 $0xffff, v10;
	vm1 =	veq.s32 v7, $0x3;
	v10 =	vsel vm0, $0x1, v0  }
0x11a: {  	v5 =	vbroadcast v5, $0xF;
	v12, _, _ =	vpop (xrf0);
	v14 =	vsel vm1, $0x1, v0  }
0x11b: {  	v4 =	vsel vm12, v18, v4;
	v11 =	vsel vm3, v3, v15;
	vm3 =	vcmask $0xF18;
	v13, _, _ =	vpop (xrf0)  }
0x11c: {  	v9 =	vbroadcast v9, $0xF;
	v8 =	vbroadcast v8, $0xF;
	v5 =	vadd.s32 v4, v5;
	(xrf0) =	vadd.scan.msk.s32 $0xffff, v10;
	v10, _, _ =	vpop (xrf0)  }
0x11d: {  	v12 =	vbroadcast v12, $0xF;
	vm0 =	veq.s32 v7, $0x0;
	v5 =	vsel vm13, v5, v4;
	(xrf0) =	vadd.scan.msk.s32 $0xffff, v14;
	v14, _, _ =	vpop (xrf0)  }
0x11e: {  	vm1 =	veq.s32 v7, $0x1;
	v15 =	vsel vm0, $0x1, v0;
	v14 =	vbroadcast v14, $0xF  }
0x11f: {  	v13 =	vbroadcast v13, $0xF;
	vm0 =	veq.s32 v7, $0x5;
	v16 =	vsel vm1, $0x1, v0;
	(xrf0) =	vadd.scan.msk.s32 $0xffff, v15  }
0x120: {  	vm1 =	vmneg vm4;
	v15 =	vsel vm0, $0x1, v0;
	vm0 =	veq.s32 v7, $0x2;
	(xrf0) =	vadd.scan.msk.s32 $0xffff, v16  }
0x121: {  	v13 =	vadd.s32 v13, v4;
	v10 =	vbroadcast v10, $0xF;
	v16 =	vsel vm0, $0x1, v0;
	(xrf0) =	vadd.scan.msk.s32 $0xffff, v15  }
0x122: {  	vm0 =	vmand vm1, vm5;
	vm1 =	vcmask $0x30C;
	v4 =	vadd.s32 v14, v4;
	v14, _, _ =	vpop (xrf0);
	(xrf0) =	vadd.scan.msk.s32 $0xffff, v16  }
0x123: {  	v15 =	vsel vm4, $0x1, v0;
	v0 =	vsel vm0, $0x1, v0;
	v4 =	vsel vm1, v5, v4;
	v5, _, _ =	vpop (xrf0)  }
0x124: {  	v3 =	vsel vm4, v3, v6;
	v13 =	vsel vm14, v4, v13;
	v8 =	vadd.s32 v8, v4;
	v16, _, _ =	vpop (xrf0)  }
0x125: {  	vm0 =	vmmov vm15;
	v4 =	vadd.s32 v12, v4;
	v8 =	vsel vm15, v13, v8;
	v12, _, _ =	vpop (xrf0)  }
0x126: {  	vm15 =	vcmask $0x131C;
	v4 =	vsel vm3, v8, v4;
	v8 =	vadd.s32 v10, v8;
	(xrf0) =	vadd.scan.msk.s32 $0xffff, v0;
	v0, _, _ =	vpop (xrf0)  }
0x127: {  	v13 =	vbroadcast v14, $0xF;
	v6 =	vsel vm15, v4, v8;
	(xrf0) =	vadd.scan.msk.s32 $0xffff, v15;
	v8 =	vbroadcast v12, $0xF;
	v10, _, _ =	vpop (xrf0)  }
0x128: {  	v5 =	vbroadcast v5, $0xF;
	v0 =	vbroadcast v0, $0xF;
	v12, _, _ =	vpop (xrf0)  }
0x129: {  	v4 =	vadd.s32 v13, v4;
	v8 =	vadd.s32 v2, v8;
	v12 =	vbroadcast v12, $0xF  }
0x12a: {  	v13 =	vbroadcast v16, $0xF;
	v8 =	vsel vm13, v8, v2;
	v0 =	vadd.s32 v0, v2  }
0x12b: {  	v4 =	vsel vm11, v6, v4;
	v0 =	vsel vm1, v8, v0;
	v2 =	vadd.s32 v12, v2  }
0x12c: {  	s6 =	sadd.s32 $0x10, s6;
	v8 =	vbroadcast v10, $0xF;
	v10, _, _ =	vpop (xrf0);
	v12 =	vadd.s32 v13, v0;
	v2 =	vsel vm14, v0, v2  }
0x12d: {  	s8 =	sadd.s32 $0x10, s8;
	[tilespmem:s6+$0x0] =	vst v1;
	v1 =	vbroadcast v10, $0xF;
	v10, _, _ =	vpop (xrf0);
	v0 =	vadd.s32 v5, v0;
	v2 =	vsel vm0, v2, v12  }
0x12e: {  	[tilespmem:s8+$0x0] =	vst v7;
	v5 =	vbroadcast v10, $0xF;
	v0 =	vsel vm3, v2, v0;
	v2 =	vadd.s32 v8, v2  }
0x12f: {  	[tilespmem:s9+$0x0] =	vst v11;
	v6 =	vadd.s32 v9, v6;
	v1 =	vadd.s32 v1, v0;
	v0 =	vsel vm15, v0, v2  }
0x130: {  	[tilespmem:s7+$0x0] =	vst v3;
	v2 =	vsel vm12, v4, v6;
	v1 =	vsel vm11, v0, v1;
	v0 =	vadd.s32 v5, v0  }
0x131: {  	s22 =	sshll.u32 s1, $0x4;
	s24 =	simm.s32 $0x0;
	[tilespmem:$0x8400] =	vst v2;
	v0 =	vsel vm12, v1, v0  }
0x132: {  	s25 =	simm.s32 $0x8400;
	s26 =	simm.s32 $0x1;
	s23 =	sadd.s32 s5, s22;
	[tilespmem:$0x8480] =	vst v0  }
0x133: {  	[hbm4b:s23+s24] =	stream.linear.scatter [tilespmem:s25], [sflag:$0x1], $0x80, $0x38;
	[tilespmem:$0xA500] =	vst v63  }
0x134: {  	_ =	swait.ge [sflag:s26], $0x80  }
0x135: {  	[sflag:s26] =	ssyncset.done $0x0  }
0x136: {  	s28 =	simm.s32 $0x8480;
	s7 =	sadd.s32 s4, s22;
	[sflag:s26] =	ssyncadd.s32 $0xFFFFFF80  }
0x137: {  	[hbm4b:s7+s24] =	stream.linear.scatter [tilespmem:s28], [sflag:$0x1], $0x80, $0x38;
	[tilespmem:$0xA500] =	vst v63  }
0x138: {  	_ =	swait.ge [sflag:s26], $0x80  }
0x139: {  	[sflag:s26] =	ssyncset.done $0x0  }
0x13a: {  	[sflag:s26] =	ssyncadd.s32 $0xFFFFFF80  }
0x13b: {  	s29 =	simm.s32 $0x9500;
	[bflag:$0x0] =	sbarrier.arrive $0xFFFF  }
0x13c: {  	[tilespmem:s29], [sflag:$0x1] =	stream.linear.gather [hbm4b:s5+s24], $0x800, $0x38;
	[tilespmem:$0xA500] =	vst v63  }
0x13d: {  	_ =	swait.ge [sflag:s26], $0x800  }
0x13e: {  	[sflag:s26] =	ssyncset.done $0x0  }
0x13f: {  	s30 =	simm.s32 $0x9D00;
	[sflag:s26] =	ssyncadd.s32 $0xFFFFF800  }
0x140: {  	[tilespmem:s30], [sflag:$0x1] =	stream.linear.gather [hbm4b:s4+s24], $0x800, $0x38;
	[tilespmem:$0xA500] =	vst v63  }
0x141: {  	_ =	swait.ge [sflag:s26], $0x800  }
0x142: {  	[sflag:s26] =	ssyncset.done $0x0  }
0x143: {  	[sflag:s26] =	ssyncadd.s32 $0xFFFFF800  }
0x144: {  	v0 =	vld [tilespmem:$0x9500]  }
0x145: {  	v1 =	vld [tilespmem:$0x9D00]  }
0x146: {  	v2 =	vld [tilespmem:$0x9580]  }
0x147: {  	v3 =	vld [tilespmem:$0x9D80]  }
0x148: {  	v4 =	vld [tilespmem:$0x9600]  }
0x149: {  	v5 =	vld [tilespmem:$0x9E00]  }
0x14a: {  	v6 =	vld [tilespmem:$0x9680]  }
0x14b: {  	v7 =	vmov s1;
	v8 =	vld [tilespmem:$0x9E80]  }
0x14c: {  	vm8 =	vgt.u32 v7, $0x2;
	v9 =	vld [tilespmem:$0x9700]  }
0x14d: {  	vm2 =	vgt.u32 v7, $0x3;
	vm10 =	vgt.u32 v7, $0x6;
	vm7 =	vgt.u32 v7, $0x7;
	v10 =	vld [tilespmem:$0x9F00]  }
0x14e: {  	vm6 =	vgt.u32 v7, $0x8;
	vm5 =	vgt.u32 v7, $0x9;
	vm9 =	veq.s32 v7, $0xF;
	v11 =	vld [tilespmem:$0x9780]  }
0x14f: {  	vm4 =	vgt.u32 v7, $0x1;
	vm1 =	veq.s32 v7, $0x0;
	vm0 =	vgt.u32 v7, $0x5;
	v12 =	vld [tilespmem:$0x9F80]  }
0x150: {  	vm3 =	vgt.u32 v7, $0xA;
	v15 =	vld [tilespmem:$0x9800];
	v13 =	vsel vm1, $0x0, v0;
	v14 =	vnsel vm4, $0x0, v2  }
0x151: {  	vm11 =	vgt.u32 v7, $0x4;
	v16 =	vld [tilespmem:$0x9880];
	v1 =	vsel vm1, $0x0, v1;
	v13 =	vadd.s32 v13, v14  }
0x152: {  	v14 =	vld [tilespmem:$0xA000];
	v0 =	vadd.s32 v0, v1;
	v1 =	vnsel vm4, $0x0, v3;
	v3 =	vnsel vm8, $0x0, v4  }
0x153: {  	vm1 =	vgt.u32 v7, $0xB;
	v0 =	vadd.s32 v2, v0;
	v2 =	vadd.s32 v3, v13;
	v3 =	vld [tilespmem:$0xA080]  }
0x154: {  	vm4 =	vgt.u32 v7, $0xC;
	v13 =	vld [tilespmem:$0x9900];
	v0 =	vadd.s32 v1, v0;
	v1 =	vnsel vm8, $0x0, v5  }
0x155: {  	v5 =	vnsel vm2, $0x0, v6;
	vm8 =	vgt.u32 v7, $0xD;
	v7 =	vld [tilespmem:$0x9A00];
	v0 =	vadd.s32 v4, v0  }
0x156: {  	v2 =	vadd.s32 v5, v2;
	v4 =	vld [tilespmem:$0xA100];
	v0 =	vadd.s32 v1, v0  }
0x157: {  	v5 =	vnsel vm11, $0x0, v9;
	v1 =	vnsel vm2, $0x0, v8;
	v8 =	vld [tilespmem:$0x9980];
	v0 =	vadd.s32 v6, v0  }
0x158: {  	v2 =	vadd.s32 v5, v2;
	v5 =	vld [tilespmem:$0xA180];
	v6 =	vnsel vm0, $0x0, v11;
	v0 =	vadd.s32 v1, v0  }
0x159: {  	v1 =	vnsel vm11, $0x0, v10;
	v10 =	vnsel vm10, $0x0, v14;
	v14 =	vld [tilespmem:$0x9B80];
	v0 =	vadd.s32 v9, v0  }
0x15a: {  	v2 =	vadd.s32 v6, v2;
	v6 =	vnsel vm10, $0x0, v15;
	v9 =	vld [tilespmem:$0xA200];
	v0 =	vadd.s32 v1, v0  }
0x15b: {  	v2 =	vadd.s32 v6, v2;
	v6 =	vld [tilespmem:$0x9A80];
	v1 =	vnsel vm0, $0x0, v12;
	v0 =	vadd.s32 v11, v0  }
0x15c: {  	v3 =	vnsel vm7, $0x0, v3;
	v12 =	vld [tilespmem:$0xA280];
	v11 =	vnsel vm7, $0x0, v16;
	v0 =	vadd.s32 v1, v0  }
0x15d: {  	v1 =	vadd.s32 v11, v2;
	v2 =	vnsel vm6, $0x0, v13;
	v11 =	vld [tilespmem:$0x9B00];
	v0 =	vadd.s32 v15, v0  }
0x15e: {  	v1 =	vadd.s32 v2, v1;
	v2 =	vld [tilespmem:$0xA300];
	v0 =	vadd.s32 v10, v0;
	v10 =	vnsel vm5, $0x0, v8  }
0x15f: {  	v4 =	vnsel vm6, $0x0, v4;
	v15 =	vld [tilespmem:$0xA380];
	v0 =	vadd.s32 v16, v0;
	v1 =	vadd.s32 v10, v1  }
0x160: {  	v10 =	vnsel vm3, $0x0, v7;
	v0 =	vadd.s32 v3, v0;
	v3 =	vnsel vm5, $0x0, v5;
	v5 =	vld [tilespmem:$0x9C00]  }
0x161: {  	s4 =	simm.s32 $0x8100;
	v1 =	vadd.s32 v10, v1;
	v10 =	vnsel vm1, $0x0, v6;
	v0 =	vadd.s32 v13, v0;
	v13 =	vld [tilespmem:$0xA400]  }
0x162: {  	v9 =	vnsel vm3, $0x0, v9;
	v0 =	vadd.s32 v4, v0;
	v4 =	vadd.s32 v10, v1;
	v1 =	vld [tilespmem:s4+$0x0]  }
0x163: {  	v10 =	vnsel vm4, $0x0, v11;
	v2 =	vnsel vm4, $0x0, v2;
	v0 =	vadd.s32 v8, v0  }
0x164: {  	v4 =	vadd.s32 v10, v4;
	v0 =	vadd.s32 v3, v0;
	v3 =	vnsel vm8, $0x0, v14  }
0x165: {  	v8 =	vnsel vm1, $0x0, v12;
	v0 =	vadd.s32 v7, v0;
	v3 =	vadd.s32 v3, v4  }
0x166: {  	v4 =	vnsel vm8, $0x0, v15;
	v7 =	vnsel vm9, $0x0, v5;
	v0 =	vadd.s32 v9, v0  }
0x167: {  	v9 =	vnsel vm9, $0x0, v13;
	v0 =	vadd.s32 v6, v0;
	vm3 =	veq.s32 v1, $0x3  }
0x168: {  	vm7 =	veq.s32 v1, $0x2;
	vm4 =	veq.s32 v1, $0x0;
	v6 =	vadd.s32 v8, v0  }
0x169: {  	vm5 =	veq.s32 v1, $0x4;
	v0 =	vimm.s32 $0x0;
	v6 =	vadd.s32 v11, v6  }
0x16a: {  	v10 =	vld [tilespmem:$0x9C80];
	vm6 =	veq.s32 v1, $0x6;
	v8 =	vsel vm3, $0x1, v0;
	v2 =	vadd.s32 v2, v6  }
0x16b: {  	vm8 =	veq.s32 v1, $0x1;
	v6 =	vsel vm7, $0x1, v0;
	(xrf0) =	vadd.scan.msk.s32 $0xffff, v8;
	v2 =	vadd.s32 v14, v2  }
0x16c: {  	vm1 =	veq.s32 v1, $0x7;
	v8 =	vsel vm4, $0x1, v0;
	(xrf0) =	vadd.scan.msk.s32 $0xffff, v6;
	v2 =	vadd.s32 v4, v2  }
0x16d: {  	s31 =	simm.s32 $0x8000;
	vm0 =	veq.s32 v1, $0x5;
	v4 =	vsel vm5, $0x1, v0;
	(xrf0) =	vadd.scan.msk.s32 $0xffff, v8;
	v2 =	vadd.s32 v5, v2  }
0x16e: {  	v11 =	vadd.s32 v7, v3;
	v6 =	vld [tilespmem:s31+$0x0];
	v5 =	vsel vm6, $0x1, v0;
	(xrf0) =	vadd.scan.msk.s32 $0xffff, v4;
	v2 =	vadd.s32 v9, v2  }
0x16f: {  	v3 =	vsel vm8, $0x1, v0;
	v13 =	vadd.s32 $0xFFFFFFFF, v11;
	(xrf0) =	vadd.scan.msk.s32 $0xffff, v5;
	v10 =	vadd.s32 v10, v2  }
0x170: {  	v18 =	vbroadcast v13, $0x1;
	v31 =	vbroadcast v13, $0x6;
	(xrf0) =	vadd.scan.msk.s32 $0xffff, v3;
	v3 =	vadd.s32 $0xFFFFFFFF, v10  }
0x171: {  	v16 =	vsel vm0, $0x1, v0;
	v2 =	vbroadcast v13, $0x2;
	v8 =	vbroadcast v3, $0x0  }
0x172: {  	v4 =	vsel vm1, $0x1, v0;
	v12, _, _ =	vpop (xrf0);
	v9 =	vbroadcast v3, $0x5;
	v5 =	vbroadcast v3, $0x3  }
0x173: {  	vm12 =	veq.s32 v6, $0x1;
	v17, _, _ =	vpop (xrf0);
	v7 =	vbroadcast v3, $0x2;
	v15 =	vbroadcast v3, $0x4  }
0x174: {  	vm13 =	veq.s32 v6, $0x0;
	v19 =	vbroadcast v3, $0x1;
	v21, _, _ =	vpop (xrf0);
	(xrf0) =	vadd.scan.msk.s32 $0xffff, v4;
	v4 =	vbroadcast v13, $0x0  }
0x175: {  	v14, _, _ =	vpop (xrf0);
	v20 =	vadd.s32 v17, v7;
	(xrf0) =	vadd.scan.msk.s32 $0xffff, v16;
	v16 =	vbroadcast v3, $0x6;
	v24 =	vadd.s32 v12, v5  }
0x176: {  	v8 =	vadd.s32 v21, v8;
	v3 =	vbroadcast v3, $0x7;
	v17 =	vbroadcast v17, $0xF  }
0x177: {  	v21 =	vbroadcast v21, $0xF;
	v22, _, _ =	vpop (xrf0);
	vm2 =	vlt.s32 v20, $0x500;
	v7 =	vadd.s32 v14, v15  }
0x178: {  	vm10 =	vlt.s32 v24, $0x500;
	vm9 =	vlt.s32 v7, $0x500;
	v5 =	vadd.s32 v22, v16  }
0x179: {  	vm14 =	vmand vm7, vm2;
	v16 =	vsel vm12, $0x1, v0;
	vm7 =	vlt.s32 v8, $0x500  }
0x17a: {  	v23, _, _ =	vpop (xrf0);
	v36 =	vadd.s32 v17, v10;
	v17 =	vadd.s32 v10, v21;
	v21 =	vbroadcast v12, $0xF  }
0x17b: {  	v15 =	vadd.s32 v23, v19;
	v19 =	vsel vm13, $0x1, v0;
	(xrf0) =	vadd.scan.msk.s32 $0xffff, v16;
	v16 =	vimm.s32 $0x0  }
0x17c: {  	vm11 =	vmand vm5, vm9;
	vm9 =	veq.s32 v6, $0x7;
	vm2 =	vlt.s32 v15, $0x500  }
0x17d: {  	v23 =	vbroadcast v23, $0xF;
	vm15 =	vmand vm8, vm2;
	vm2 =	vlt.s32 v5, $0x500;
	v25, _, _ =	vpop (xrf0)  }
0x17e: {  	(xrf0) =	vadd.scan.msk.s32 $0xffff, v19;
	v26, _, _ =	vpop (xrf0);
	vm2 =	vmand vm6, vm2;
	vm6 =	vmand vm3, vm10;
	vm3 =	veq.s32 v6, $0x3  }
0x17f: {  	v16 =	vsel vm2, $0xFFFFFFFF, v16;
	vm2 =	vmand vm4, vm7;
	v9 =	vadd.s32 v26, v9  }
0x180: {  	vm4 =	veq.s32 v6, $0x4;
	[tilespmem:$0x1FFD0] =	vst v16;
	vm5 =	vlt.s32 v9, $0x500;
	v16 =	vsel vm3, $0x1, v0  }
0x181: {  	v19 =	vsel vm4, $0x1, v0;
	vm8 =	vmand vm0, vm5;
	vm0 =	veq.s32 v6, $0x5;
	(xrf0) =	vadd.scan.msk.s32 $0xffff, v16  }
0x182: {  	vm7 =	veq.s32 v6, $0x6;
	v8 =	vnsel vm2, $0x0, v8;
	v16 =	vsel vm0, $0x1, v0;
	(xrf0) =	vadd.scan.msk.s32 $0xffff, v19  }
0x183: {  	v23 =	vadd.s32 v23, v10;
	v27, _, _ =	vpop (xrf0);
	v8 =	vsel vm15, v15, v8;
	v15 =	vsel vm7, $0x1, v0;
	(xrf0) =	vadd.scan.msk.s32 $0xffff, v16  }
0x184: {  	vm2 =	vmor vm2, vm15;
	vm15 =	veq.s32 v6, $0x2;
	v28, _, _ =	vpop (xrf0);
	v16 =	vsel vm9, $0x1, v0;
	(xrf0) =	vadd.scan.msk.s32 $0xffff, v15  }
0x185: {  	v29 =	vsel vm14, v20, v8;
	v8 =	vsel vm15, $0x1, v0;
	v4 =	vadd.s32 v28, v4;
	(xrf0) =	vadd.scan.msk.s32 $0xffff, v16  }
0x186: {  	vm2 =	vmor vm14, vm2;
	vm5 =	vlt.s32 v4, $0x500;
	v15 =	vadd.s32 v27, v18;
	(xrf0) =	vadd.scan.msk.s32 $0xffff, v8  }
0x187: {  	v19 =	vbroadcast v13, $0x3;
	vm13 =	vmand vm13, vm5;
	vm5 =	vlt.s32 v15, $0x500;
	v30, _, _ =	vpop (xrf0)  }
0x188: {  	v18 =	vbroadcast v13, $0x5;
	v16 =	vbroadcast v13, $0x4;
	vm12 =	vmand vm12, vm5;
	v32, _, _ =	vpop (xrf0)  }
0x189: {  	v8 =	vadd.s32 v25, v3;
	vm5 =	vmor vm6, vm2;
	v3 =	vnsel vm13, $0x0, v4;
	v33, _, _ =	vpop (xrf0)  }
0x18a: {  	vm2 =	vmor vm13, vm12;
	v3 =	vsel vm12, v15, v3;
	vm12 =	vlt.s32 v8, $0x500;
	v35, _, _ =	vpop (xrf0)  }
0x18b: {  	v12 =	vld [tilespmem:$0x1FFF0];
	v34 =	vadd.s32 v30, v19;
	vm12 =	vmand vm1, vm12;
	v19 =	vadd.s32 v32, v16;
	v20, _, _ =	vpop (xrf0)  }
0x18c: {  	v15 =	vadd.s32 v33, v18;
	v18 =	vsel vm6, v24, v29;
	v16 =	vadd.s32 v35, v31;
	v31, _, _ =	vpop (xrf0)  }
0x18d: {  	vm1 =	vlt.s32 v15, $0x500;
	vm6 =	vlt.s32 v16, $0x500;
	v2 =	vadd.s32 v31, v2  }
0x18e: {  	vm13 =	vmand vm0, vm1;
	vm1 =	vlt.s32 v19, $0x500;
	vm0 =	vlt.s32 v2, $0x500  }
0x18f: {  	vm1 =	vmand vm4, vm1;
	vm4 =	vlt.s32 v34, $0x500;
	vm0 =	vmand vm15, vm0  }
0x190: {  	vm3 =	vmand vm3, vm4;
	vm4 =	vmor vm0, vm2;
	vm2 =	vnez.u8 v12  }
0x191: {  	vm14 =	vmand vm7, vm6;
	vm7 =	vcmask $0x30C;
	v12 =	vsel vm2, v17, v10  }
0x192: {  	v23 =	vsel vm7, v12, v23  }
0x193: {  	v12 =	vbroadcast v25, $0xF;
	v25 =	vadd.s32 v21, v23;
	v21 =	vbroadcast v22, $0xF;
	v22 =	vld [tilespmem:$0x1FFE0];
	_ =	sdelay $0x2  }
0x194: {  	v14 =	vbroadcast v14, $0xF  }
0x195: {  	v26 =	vbroadcast v26, $0xF;
	v24 =	vbroadcast v13, $0x7;
	v13 =	vmov s24  }
0x196: {  	s7 =	simm.s32 $0x8300;
	v37 =	vshll.u32 v13, $0x3;
	v29 =	vsel vm0, v2, v3;
	vm0 =	vnez.u8 v22  }
0x197: {  	s8 =	simm.s32 $0x8200;
	v13 =	vld [tilespmem:s7+$0x0];
	v22 =	vsel vm0, v23, v36;
	vm0 =	vmor vm11, vm5;
	vm5 =	vcmask $0xB14  }
0x198: {  	s5 =	simm.s32 $0x8540;
	v4 =	vlaneseq.u32;
	v3 =	vimm.s32 $0xFFFFFFFF;
	v17 =	vld [tilespmem:s8+$0x0];
	v36 =	vsel vm5, v22, v25  }
0x199: {  	s6 =	simm.s32 $0x8D40;
	v2 =	vimm.f32 $0.0e+00;
	[tilespmem:s5+$0xFFFFFFC0] =	vst v3;
	v62 =	vadd.s32 v26, v36;
	v26 =	vadd.s32 v14, v23;
	v14 =	vld [tilespmem:$0x1FFD0]  }
0x19a: {  	v4 =	vmul.u32 $0x8, v4;
	v24 =	vadd.s32 v20, v24;
	[tilespmem:s6+$0xFFFFFFC0] =	vst v2  }
0x19b: {  	vm10 =	vmmov vm11;
	v28 =	vbroadcast v28, $0xF;
	vm6 =	vlt.s32 v24, $0x500;
	[tilespmem:s5+$0xFFFFFFD0] =	vst v3  }
0x19c: {  	v31 =	vbroadcast v31, $0xF;
	v10 =	vor.u32 v4, v37;
	[tilespmem:s6+$0xFFFFFFD0] =	vst v2;
	vm11 =	vmmov vm8  }
0x19d: {  	[tilespmem:s5+$0xFFFFFFE0] =	vst v3;
	vm0 =	vmor vm8, vm0;
	v22 =	vbroadcast v32, $0xF;
	v25 =	vbroadcast v30, $0xF  }
0x19e: {  	[tilespmem:s6+$0xFFFFFFE0] =	vst v2;
	v23 =	vbroadcast v33, $0xF;
	vm5 =	vnez.u8 v14;
	v14 =	vadd.s32 v11, v28  }
0x19f: {  	[tilespmem:s5+$0xFFFFFFF0] =	vst v3;
	v28 =	vbroadcast v27, $0xF;
	v27 =	vsel vm3, v34, v29;
	vm8 =	vmmov vm5  }
0x1a0: {  	[tilespmem:s6+$0xFFFFFFF0] =	vst v2;
	vm0 =	vmor vm5, vm0;
	v30 =	vsel vm2, v14, v11;
	v14 =	vbroadcast v35, $0xF  }
0x1a1: {  	[tilespmem:s5+$0x0] =	vst v3;
	vm2 =	vcmask $0xF18;
	vm15 =	vmor vm12, vm0;
	vm0 =	vmor vm3, vm4  }
0x1a2: {  	s12 =	simm.s32 $0x8010;
	s13 =	simm.s32 $0x8DC0;
	s14 =	simm.s32 $0x85C0;
	[tilespmem:s6+$0x0] =	vst v2;
	v29 =	vsel vm2, v36, v26;
	v63 =	vadd.s32 v28, v11;
	vm2 =	vcmask $0x131C  }
0x1a3: {  	s11 =	simm.s32 $0x10;
	s10 =	simm.s32 $0x8500;
	s9 =	simm.s32 $0x8D00;
	[tilespmem:s5+$0x10] =	vst v3;
	v26 =	vadd.s32 v31, v11;
	v28 =	vsel vm2, v29, v62;
	v11 =	vsel vm7, v30, v63  }
.LBB2_3:
0x1a4: {  	vm2 =	vmor vm1, vm0;
	v7 =	vsel vm10, v7, v18  }
0x1a5: {  	vm0 =	vmand vm9, vm6;
	v19 =	vsel vm1, v19, v27;
	vm1 =	vmor vm13, vm2  }
0x1a6: {  	vm3 =	vcmask $0x1B20;
	v7 =	vsel vm11, v9, v7;
	vm1 =	vmor vm14, vm1  }
0x1a7: {  	v6 =	vadd.s32 v10, v6;
	v5 =	vsel vm8, v5, v7;
	vm1 =	vmor vm0, vm1  }
0x1a8: {  	[tilespmem:s6+$0x10] =	vst v2;
	v9 =	vadd.s32 v21, v29;
	vm2 =	vcmask $0x1720;
	v5 =	vsel vm12, v8, v5;
	v8 =	vld [tilespmem:$0x1FFE0]  }
0x1a9: {  	v1 =	vadd.s32 v10, v1;
	[tilespmem:s5+$0x20] =	vst v3;
	v9 =	vsel vm2, v28, v9;
	v7 =	vadd.s32 v12, v28  }
0x1aa: {  	v18 =	vbroadcast v20, $0xF;
	[tilespmem:s6+$0x20] =	vst v2;
	v20 =	vsel vm3, v9, v7;
	v7 =	vsel vm13, v15, v19  }
0x1ab: {  	[tilespmem:s5+$0x30] =	vst v3;
	v7 =	vsel vm14, v16, v7  }
0x1ac: {  	[tilespmem:s6+$0x30] =	vst v2;
	v7 =	vsel vm0, v24, v7  }
0x1ad: {  	vm12 =	vnez.u8 v8;
	[tilespmem:v6+s10+$0x0] =	vst.idx.msk vm1, v7  }
0x1ae: {  	v9 =	vadd.s32 v25, v11;
	vm0 =	vcmask $0xB14;
	v8 =	vsel vm12, v11, v26;
	[tilespmem:v1+s10+$0x0] =	vst.idx.msk vm15, v5  }
0x1af: {  	v8 =	vsel vm0, v8, v9;
	v9 =	vadd.s32 v22, v11;
	vm0 =	vcmask $0xF18;
	[tilespmem:v6+s9+$0x0] =	vst.idx.msk vm1, v17  }
0x1b0: {  	s4 =	sadd.s32 $0x10, s4;
	v9 =	vsel vm0, v8, v9;
	v8 =	vadd.s32 v23, v8;
	vm0 =	vcmask $0x131C;
	[tilespmem:v1+s9+$0x0] =	vst.idx.msk vm15, v13  }
0x1b1: {  	v7 =	vsel vm0, v9, v8;
	v8 =	vadd.s32 v14, v9;
	v1 =	vld [tilespmem:s4+$0x0]  }
0x1b2: {  	v5 =	vsel vm2, v7, v8;
	v7 =	vadd.s32 v18, v7  }
0x1b3: {  	v11 =	vsel vm3, v5, v7  }
0x1b4: {  	v52 =	vimm.s32 $0x0;
	v5 =	vadd.s32 $0xFFFFFFFF, v11  }
0x1b5: {  	v6 =	vimm.s32 $0x0;
	v14 =	vbroadcast v5, $0x2;
	v15 =	vbroadcast v5, $0x5  }
0x1b6: {  	v18 =	vbroadcast v5, $0x7;
	v19 =	vbroadcast v5, $0x4;
	vm0 =	veq.s32 v1, $0x7  }
0x1b7: {  	v16 =	vbroadcast v5, $0x6;
	vm1 =	veq.s32 v1, $0x3;
	v6 =	vsel vm0, $0xFFFFFFFF, v6  }
0x1b8: {  	v13 =	vbroadcast v5, $0x3;
	vm8 =	veq.s32 v1, $0x2;
	[tilespmem:$0x1FFB0] =	vst v6;
	v6 =	vsel vm1, $0x1, v0  }
0x1b9: {  	v23 =	vbroadcast v5, $0x1;
	vm3 =	veq.s32 v1, $0x0;
	v8 =	vsel vm8, $0x1, v0;
	(xrf0) =	vadd.scan.msk.s32 $0xffff, v6  }
0x1ba: {  	v25 =	vbroadcast v5, $0x0;
	vm5 =	veq.s32 v1, $0x6;
	v7 =	vsel vm3, $0x1, v0;
	(xrf0) =	vadd.scan.msk.s32 $0xffff, v8  }
0x1bb: {  	vm9 =	veq.s32 v1, $0x4;
	vm6 =	veq.s32 v1, $0x1;
	vm4 =	veq.s32 v1, $0x5;
	(xrf0) =	vadd.scan.msk.s32 $0xffff, v7  }
0x1bc: {  	v9 =	vsel vm5, $0x1, v0;
	v6 =	vadd.s32 $0xFFFFFFFF, v20;
	v8 =	vsel vm9, $0x1, v0  }
0x1bd: {  	v10 =	vsel vm0, $0x1, v0;
	v12 =	vbroadcast v6, $0x0;
	v17 =	vbroadcast v6, $0x5;
	(xrf0) =	vadd.scan.msk.s32 $0xffff, v8  }
0x1be: {  	v21 =	vbroadcast v6, $0x4;
	v7 =	vbroadcast v6, $0x3;
	v8 =	vsel vm6, $0x1, v0;
	(xrf0) =	vadd.scan.msk.s32 $0xffff, v9  }
0x1bf: {  	v35 =	vld [tilespmem:$0x1FFF0];
	v22 =	vsel vm4, $0x1, v0;
	v9 =	vbroadcast v6, $0x2;
	(xrf0) =	vadd.scan.msk.s32 $0xffff, v8;
	v8 =	vbroadcast v6, $0x7;
	v24, _, _ =	vpop (xrf0)  }
0x1c0: {  	(xrf0) =	vadd.scan.msk.s32 $0xffff, v10;
	v10 =	vbroadcast v6, $0x1;
	v6 =	vbroadcast v6, $0x6;
	v5, _, _ =	vpop (xrf0);
	v26 =	vadd.s32 v24, v7  }
0x1c1: {  	s15 =	smov.u32 s11;
	(xrf0) =	vadd.scan.msk.s32 $0xffff, v22;
	v24 =	vbroadcast v24, $0xF;
	v22 =	vadd.s32 v5, v9;
	v5 =	vbroadcast v5, $0xF;
	v27, _, _ =	vpop (xrf0)  }
0x1c2: {  	v9 =	vmov s15;
	vm10 =	vlt.s32 v26, $0x500;
	v28 =	vbroadcast v27, $0xF  }
0x1c3: {  	vm0 =	vlt.s32 v22, $0x500;
	v29, _, _ =	vpop (xrf0);
	v12 =	vadd.s32 v27, v12;
	vm1 =	vmand vm1, vm10  }
0x1c4: {  	vm10 =	vnez.u8 v35;
	v30 =	vadd.s32 v5, v20;
	v7 =	vadd.s32 v29, v21  }
0x1c5: {  	v21, _, _ =	vpop (xrf0);
	vm15 =	vmand vm8, vm0;
	vm7 =	vlt.s32 v12, $0x500;
	v29 =	vbroadcast v29, $0xF  }
0x1c6: {  	vm2 =	vlt.s32 v7, $0x500;
	v5 =	vadd.s32 v21, v6;
	v6 =	vshll.u32 v9, $0x3;
	v9, _, _ =	vpop (xrf0)  }
0x1c7: {  	v28 =	vadd.s32 v20, v28;
	v21 =	vbroadcast v21, $0xF;
	v31 =	vadd.s32 v9, v10  }
0x1c8: {  	v10 =	vor.u32 v4, v6;
	v6 =	vld [tilespmem:s12+$0x0];
	vm11 =	vmand vm9, vm2;
	vm2 =	vmand vm3, vm7  }
0x1c9: {  	v32, _, _ =	vpop (xrf0);
	v34 =	vbroadcast v9, $0xF;
	v28 =	vsel vm10, v28, v20;
	vm0 =	vlt.s32 v31, $0x500  }
0x1ca: {  	v8 =	vadd.s32 v32, v8;
	v33, _, _ =	vpop (xrf0);
	vm0 =	vmand vm6, vm0;
	vm6 =	vlt.s32 v5, $0x500  }
0x1cb: {  	v27 =	vbroadcast v33, $0xF;
	v9 =	vadd.s32 v33, v17;
	v17 =	vnsel vm2, $0x0, v12  }
0x1cc: {  	v12 =	vbroadcast v32, $0xF;
	v20 =	vadd.s32 v34, v20;
	vm8 =	vmand vm5, vm6  }
0x1cd: {  	vm3 =	vlt.s32 v9, $0x500;
	vm2 =	vmor vm2, vm0;
	vm6 =	veq.s32 v6, $0x1  }
0x1ce: {  	v17 =	vsel vm0, v31, v17;
	vm7 =	veq.s32 v6, $0x0;
	v51 =	vsel vm6, $0x1, v0  }
0x1cf: {  	vm0 =	vcmask $0x30C;
	vm2 =	vmor vm15, vm2;
	v50 =	vsel vm7, $0x1, v0;
	(xrf0) =	vadd.scan.msk.s32 $0xffff, v51  }
0x1d0: {  	vm3 =	vmand vm4, vm3;
	v20 =	vsel vm0, v28, v20;
	v31 =	vsel vm15, v22, v17;
	(xrf0) =	vadd.scan.msk.s32 $0xffff, v50  }
0x1d1: {  	vm5 =	veq.s32 v6, $0x3;
	vm4 =	veq.s32 v6, $0x4;
	vm13 =	veq.s32 v6, $0x5  }
0x1d2: {  	vm14 =	veq.s32 v6, $0x6;
	vm9 =	veq.s32 v6, $0x7;
	v58 =	vadd.s32 v24, v20  }
0x1d3: {  	v24 =	vsel vm12, v20, v30;
	vm0 =	vmor vm1, vm2;
	vm2 =	vcmask $0xB14  }
0x1d4: {  	vm12 =	vmmov vm11;
	v29 =	vadd.s32 v29, v20;
	v53 =	vsel vm5, $0x1, v0  }
0x1d5: {  	v35 =	vsel vm5, $0xFFFFFFFF, v52;
	v54 =	vsel vm4, $0x1, v0;
	vm5 =	veq.s32 v6, $0x2;
	(xrf0) =	vadd.scan.msk.s32 $0xffff, v53;
	v28, _, _ =	vpop (xrf0)  }
0x1d6: {  	v55 =	vsel vm14, $0x1, v0;
	v57 =	vsel vm13, $0x1, v0;
	[tilespmem:$0x1FFC0] =	vst v35;
	(xrf0) =	vadd.scan.msk.s32 $0xffff, v54;
	v17, _, _ =	vpop (xrf0)  }
0x1d7: {  	v56 =	vsel vm9, $0x1, v0;
	v30 =	vsel vm2, v24, v58;
	v63 =	vld [tilespmem:$0x1FFC0];
	(xrf0) =	vadd.scan.msk.s32 $0xffff, v57;
	v24 =	vadd.s32 v17, v25  }
0x1d8: {  	vm2 =	vmor vm11, vm0;
	(xrf0) =	vadd.scan.msk.s32 $0xffff, v55;
	v60 =	vadd.s32 v28, v23;
	vm15 =	vlt.s32 v24, $0x500  }
0x1d9: {  	v22 =	vsel vm5, $0x1, v0;
	(xrf0) =	vadd.scan.msk.s32 $0xffff, v56;
	vm7 =	vmand vm7, vm15;
	vm15 =	vlt.s32 v60, $0x500  }
0x1da: {  	vm0 =	vlt.s32 v8, $0x500;
	(xrf0) =	vadd.scan.msk.s32 $0xffff, v22;
	vm6 =	vmand vm6, vm15;
	v24 =	vnsel vm7, $0x0, v24  }
0x1db: {  	vm11 =	vmmov vm3;
	vm2 =	vmor vm3, vm2;
	v23, _, _ =	vpop (xrf0);
	v33 =	vsel vm6, v60, v24;
	v24 =	vld [tilespmem:$0x1FFB0]  }
0x1dc: {  	v27 =	vadd.s32 v27, v30;
	vm2 =	vmor vm8, vm2;
	vm3 =	vnez.u8 v63;
	v20, _, _ =	vpop (xrf0)  }
0x1dd: {  	v28 =	vbroadcast v28, $0xF;
	v59 =	vbroadcast v17, $0xF;
	v61 =	vadd.s32 v23, v13;
	v62, _, _ =	vpop (xrf0)  }
0x1de: {  	v25 =	vbroadcast v23, $0xF;
	v22 =	vbroadcast v20, $0xF;
	v19 =	vadd.s32 v20, v19;
	v36, _, _ =	vpop (xrf0)  }
0x1df: {  	s8 =	sadd.s32 $0x10, s8;
	v23 =	vbroadcast v62, $0xF;
	v15 =	vadd.s32 v62, v15;
	vm7 =	vmor vm7, vm6;
	v20, _, _ =	vpop (xrf0)  }
0x1e0: {  	s7 =	sadd.s32 $0x10, s7;
	v17 =	vld [tilespmem:s8+$0x0];
	v16 =	vadd.s32 v36, v16;
	v37, _, _ =	vpop (xrf0);
	vm6 =	vnez.u8 v24;
	v24 =	vadd.s32 v20, v18  }
0x1e1: {  	v13 =	vld [tilespmem:s7+$0x0];
	[tilespmem:s14+$0xFFFFFFC0] =	vst v3;
	v18 =	vsel vm1, v26, v31;
	v26 =	vadd.s32 v11, v59;
	v31 =	vadd.s32 v37, v14  }
0x1e2: {  	[tilespmem:s13+$0xFFFFFFC0] =	vst v2;
	vm1 =	vlt.s32 v15, $0x500;
	v14 =	vbroadcast v36, $0xF;
	vm6 =	vmand vm6, vm0  }
0x1e3: {  	[tilespmem:s14+$0xFFFFFFD0] =	vst v3;
	vm0 =	vlt.s32 v16, $0x500;
	v32 =	vsel vm10, v26, v11;
	vm10 =	vmmov vm12  }
0x1e4: {  	[tilespmem:s13+$0xFFFFFFD0] =	vst v2;
	vm13 =	vmand vm13, vm1;
	vm1 =	vlt.s32 v31, $0x500;
	v26 =	vbroadcast v37, $0xF  }
0x1e5: {  	[tilespmem:s14+$0xFFFFFFE0] =	vst v3;
	vm15 =	vmor vm6, vm2;
	vm2 =	vlt.s32 v61, $0x500;
	vm12 =	vmmov vm6  }
0x1e6: {  	p0 =	sne.s32 s11, $0xF0;
	[tilespmem:s13+$0xFFFFFFE0] =	vst v2;
	vm14 =	vmand vm14, vm0;
	vm0 =	vmand vm5, vm1;
	vm1 =	vlt.s32 v19, $0x500  }
.Ltmp1:
0x1e7: {  	[tilespmem:s14+$0xFFFFFFF0] =	vst v3;
	vm6 =	vlt.s32 v24, $0x500;
	v26 =	vadd.s32 v26, v11;
	vm1 =	vmand vm4, vm1;
	(pc) =	sbr.rel @p0 .LBB2_3-.Ltmp1, $4  }
0x1e8: {  	[tilespmem:s13+$0xFFFFFFF0] =	vst v2;
	v31 =	vsel vm0, v31, v33;
	vm2 =	vmand vm3, vm2;
	vm3 =	vcmask $0xF18  }
0x1e9: {  	[tilespmem:s14+$0x0] =	vst v3;
	v11 =	vadd.s32 v28, v11;
	v29 =	vsel vm3, v30, v29;
	vm3 =	vcmask $0x131C  }
0x1ea: {  	s11 =	sadd.s32 $0x10, s11;
	s5 =	smov.u32 s14;
	s6 =	smov.u32 s13;
	[tilespmem:s13+$0x0] =	vst v2;
	vm0 =	vmor vm0, vm7;
	v28 =	vsel vm3, v29, v27;
	vm3 =	vcmask $0x30C  }
0x1eb: {  	s12 =	sadd.s32 $0x10, s12;
	s14 =	sadd.s32 $0x80, s14;
	s13 =	sadd.s32 $0x80, s13;
	[tilespmem:s5+$0x10] =	vst v3;
	vm0 =	vmor vm2, vm0;
	v27 =	vsel vm2, v61, v31;
	v11 =	vsel vm3, v32, v11  }
0x1ec: {  	vm0 =	vmor vm1, vm0  }
0x1ed: {  	vm0 =	vmor vm13, vm0  }
0x1ee: {  	vm2 =	vmand vm9, vm6;
	vm0 =	vmor vm14, vm0  }
0x1ef: {  	vm0 =	vmor vm2, vm0  }
0x1f0: {  	[tilespmem:s6+$0x10] =	vst v2;
	v0 =	vadd.s32 v10, v6  }
0x1f1: {  	v4 =	vsel vm1, v19, v27;
	v1 =	vadd.s32 v10, v1;
	[tilespmem:s5+$0x20] =	vst v3  }
0x1f2: {  	v59 =	vsel vm10, v7, v18;
	v4 =	vsel vm13, v15, v4;
	[tilespmem:s6+$0x20] =	vst v2  }
0x1f3: {  	v6 =	vsel vm11, v9, v59;
	v60 =	vsel vm14, v16, v4;
	[tilespmem:s5+$0x30] =	vst v3  }
0x1f4: {  	v61 =	vsel vm8, v5, v6;
	v62 =	vsel vm2, v24, v60;
	[tilespmem:s6+$0x30] =	vst v2  }
0x1f5: {  	v63 =	vsel vm12, v8, v61;
	[tilespmem:v0+s10+$0x0] =	vst.idx.msk vm0, v62  }
0x1f6: {  	[tilespmem:v1+s10+$0x0] =	vst.idx.msk vm15, v63  }
0x1f7: {  	s4 =	sshll.u32 s1, $0x8;
	s28 =	simm.s32 $0x0;
	[tilespmem:v0+s9+$0x0] =	vst.idx.msk vm0, v17  }
0x1f8: {  	s29 =	simm.s32 $0x8500;
	s30 =	simm.s32 $0x1;
	s2 =	sadd.s32 s2, s4;
	[tilespmem:v1+s9+$0x0] =	vst.idx.msk vm15, v13  }
0x1f9: {  	[hbm4b:s2+s28] =	stream.linear.scatter [tilespmem:s29], [sflag:$0x1], $0x800, $0x38;
	[tilespmem:$0xA500] =	vst v63  }
0x1fa: {  	_ =	swait.ge [sflag:s30], $0x800  }
0x1fb: {  	[sflag:s30] =	ssyncset.done $0x0  }
0x1fc: {  	s31 =	simm.s32 $0x8D00;
	s3 =	sadd.s32 s3, s4;
	[sflag:s30] =	ssyncadd.s32 $0xFFFFF800  }
0x1fd: {  	[hbm4b:s3+s28] =	stream.linear.scatter [tilespmem:s31], [sflag:$0x1], $0x800, $0x38;
	[tilespmem:$0xA500] =	vst v63  }
0x1fe: {  	_ =	swait.ge [sflag:s30], $0x800  }
0x1ff: {  	[sflag:s30] =	ssyncset.done $0x0  }
0x200: {  	[sflag:s30] =	ssyncadd.s32 $0xFFFFF800  }
0x201: {  	_ =	sfence.sel $0x180000  }
0x202: {  	[bflag:$0x0] =	sbarrier.arrive $0xFFFF  }
0x203: {  	p0 =	sne.s32 s1, $0x0;
	_ =	strace $0x90000047  }
0x204: {  	s0 =	sadd.s32 @!p0 $0x100000, s0;
	[bflag:$0x2] =	sbarrier.arrive $0xFFFF  }
0x205: {  	[sflag:s0] =	ssyncadd.tile.s32 @!p0 $0x1;
	_ =	shalt  }
.Lfunc_end2:
_tile_overlayer_lowered:
.L_overlay_start_2:
0x206: {  	(tag) =	ssettag $0x2  }
0x207: {  	s0 =	rddreg [dreg:$0x0];
	s2 =	stileid.u32  }
0x208: {  	s1 =	rddreg [dreg:$0x1];
	p0 =	sne.s32 s2, $0x0  }
0x209: {  	s3 =	rddreg [dreg:$0x2];
	[bflag:$0x3] =	sbarrier.arrive $0xFFFF;
	s2 =	simm.s32 @!p0 $0x1C01  }
0x20a: {  	[timem:s3], [sflag:s2] =	dma.local @!p0 [hbm:s0], s1  }
0x20b: {  	s0 =	simm.s32 @!p0 $0x1  }
0x20c: {  	_ =	swait.ge @!p0 [sflag:s0], s1  }
0x20d: {  	s1 =	ssub.s32 @!p0 $0x0, s1;
	[sflag:s0] =	ssyncset.done @!p0 $0x0  }
0x20e: {  	[sflag:s0] =	ssyncadd.s32 @!p0 s1  }
0x20f: {  	[bflag:$0x3] =	sbarrier.arrive $0xFFFF  }
0x210: {  	_ =	shalt  }

</sc_bundles>
